<compile_context>
chip_gen: v7x
topology: tpu7x:2x2x1
jax: 0.10.2.dev20260603
libtpu: 0.0.44.dev20260713+nightly
codegen_flags: <defaults>
</compile_context>

<pallas_src>
import jax
import jax.numpy as jnp
from jax import lax
from jax.experimental import pallas as pl
from jax.experimental.pallas import tpu as pltpu
from jax.experimental.pallas import tpu_sc as plsc
from jax._src.pallas import mpmd

_BATCH = 16384
_FIELDS = 26
_V = 1000000
_NC = 2
_NS = 16
_NW = _NC * _NS
_COLS = _BATCH // _NW
_HCOLS = _COLS // 2
_HE = _FIELDS * _HCOLS
_VPR = _HCOLS // 16

_scs_mesh = plsc.ScalarSubcoreMesh(axis_name="c")
_vec_mesh = plsc.VectorSubcoreMesh(core_axis_name="c", subcore_axis_name="s")


def _scs_fn(idx_hbm, table_hbm, out_hbm, idx2_v, idx_a, idx_b, vals_a,
            vals_b, vals2_v, table_sp, gsem_a, gsem_b, sem_ready):
    pltpu.sync_copy(table_hbm, table_sp)
    for t in range(_NS):
        pl.semaphore_signal(sem_ready, 1, device_id={"s": t})


def _tec_fn(idx_hbm, table_hbm, out_hbm, idx2_v, idx_a, idx_b, vals_a,
            vals_b, vals2_v, table_sp, gsem_a, gsem_b, sem_ready):
    s = lax.axis_index("s")
    wid = s * _NC + lax.axis_index("c")
    col0 = wid * _COLS
    idx_flat = (idx_a, idx_b)
    vals = (vals_a, vals_b)

    for hb in range(2):
        pltpu.sync_copy(idx_hbm.at[:, pl.ds(col0 + hb * _HCOLS, _HCOLS)],
                        idx2_v)
        dst = idx_flat[hb]

        def _row(f, _):
            for j in range(_VPR):
                dst[pl.ds(f * _HCOLS + j * 16, 16)] = \
                    idx2_v[f, pl.ds(j * 16, 16)]
            return _

        lax.fori_loop(0, _FIELDS, _row, None)

    pl.semaphore_wait(sem_ready, 1)
    g0 = pltpu.async_copy(table_sp.at[idx_a], vals_a, gsem_a)
    g1 = pltpu.async_copy(table_sp.at[idx_b], vals_b, gsem_b)

    for hb, g in ((0, g0), (1, g1)):
        g.wait()
        vb = vals[hb]

        def _row(f, _):
            for j in range(_VPR):
                vals2_v[f, pl.ds(j * 16, 16)] = \
                    vb[pl.ds(f * _HCOLS + j * 16, 16)]
            return _

        lax.fori_loop(0, _FIELDS, _row, None)
        pltpu.sync_copy(vals2_v,
                        out_hbm.at[:, pl.ds(col0 + hb * _HCOLS, _HCOLS)])


_vmem = pltpu.MemorySpace.VMEM @ _vec_mesh

_gather_sc = mpmd.mpmd_map(
    [(_scs_mesh, _scs_fn), (_vec_mesh, _tec_fn)],
    out_types=jax.ShapeDtypeStruct((_FIELDS, _BATCH), jnp.float32),
    scratch_types=[
        _vmem((_FIELDS, _HCOLS), jnp.int32),
        _vmem((_HE,), jnp.int32),
        _vmem((_HE,), jnp.int32),
        _vmem((_HE,), jnp.float32),
        _vmem((_HE,), jnp.float32),
        _vmem((_FIELDS, _HCOLS), jnp.float32),
        pltpu.VMEM_SHARED((_V,), jnp.float32),
        pltpu.SemaphoreType.DMA @ _vec_mesh,
        pltpu.SemaphoreType.DMA @ _vec_mesh,
        pltpu.SemaphoreType.REGULAR @ _vec_mesh,
    ],
)


def kernel(ind, scales):
    if ind.dtype != jnp.int32:
        ind = ind.astype(jnp.int32)
    return _gather_sc(ind.T, scales).T

# --- scband reference (transcript-rebuilt; emitter-appended) ---
"""Pipeline reference for scband-simple-scale-model-58566174049042 (READ-ONLY COPY).

The authoritative reference and input builder live on the scoring server;
editing this copy changes nothing except your own understanding.
"""

import jax, jax.numpy as jnp
import numpy as np

VOCAB = 1000000
BATCH = 16384
FIELDS = 26

def setup_inputs(seed: int = 0) -> dict:
    key = jax.random.key(seed)
    k_ind, k_scales = jax.random.split(key)
    ind = jax.random.randint(k_ind, (BATCH, FIELDS), 0, VOCAB, dtype=jnp.int64 if jax.config.jax_enable_x64 else jnp.int32)
    # learned parameter: per-entry scale (1-D table of size VOCAB)
    scales = jax.random.normal(k_scales, (VOCAB,), dtype=jnp.float32)
    return {"ind": ind, "scales": scales}

def reference(ind, scales):
    # Faithful translation of: s = self.scales[ind]; return s
    s = jnp.take(scales, ind, axis=0)
    return s

if __name__ == "__main__":
    import jax
    _d = setup_inputs()
    print(jax.jit(kernel)(*tuple(_d.values())))

</pallas_src>

<mosaic_0001>
#map = affine_map<(d0) -> (0, 0)>
#map1 = affine_map<(d0) -> (0)>
#map2 = affine_map<(d0, d1) -> (0, 0)>
#map3 = affine_map<(d0, d1) -> (0)>
module attributes {stable_mosaic.version = 14 : i64} {
  func.func @_scs_fn(%arg0: i32, %arg1: memref<26x16384xi32, #tpu.memory_space<hbm>>, %arg2: memref<1000000xf32, #tpu.memory_space<hbm>>, %arg3: memref<26x16384xf32, #tpu.memory_space<hbm>>, %arg4: memref<26x256xi32, #tpu.memory_space<vmem, sc_vector_subcore>>, %arg5: memref<6656xi32, #tpu.memory_space<vmem, sc_vector_subcore>>, %arg6: memref<6656xi32, #tpu.memory_space<vmem, sc_vector_subcore>>, %arg7: memref<6656xf32, #tpu.memory_space<vmem, sc_vector_subcore>>, %arg8: memref<6656xf32, #tpu.memory_space<vmem, sc_vector_subcore>>, %arg9: memref<26x256xf32, #tpu.memory_space<vmem, sc_vector_subcore>>, %arg10: memref<1000000xf32, #tpu.memory_space<vmem_shared>>, %arg11: memref<!tpu.dma_semaphore, #tpu.memory_space<semaphore_mem, sc_vector_subcore>>, %arg12: memref<!tpu.dma_semaphore, #tpu.memory_space<semaphore_mem, sc_vector_subcore>>, %arg13: memref<!tpu.semaphore, #tpu.memory_space<semaphore_mem, sc_vector_subcore>>) attributes {dimension_semantics = [#tpu.dimension_semantics<core_parallel>], iteration_bounds = array<i64: 2>, scalar_prefetch = 0 : i64, scratch_operands = 10 : i64, tpu.core_type = #tpu.core_type<sc_scalar_subcore>, window_params = [{transform_indices = #map}, {transform_indices = #map1}, {transform_indices = #map}]} {
    "tpu.region"() ({
      %run_scoped3A = tpu.sem_alloc : memref<!tpu.dma_semaphore, #tpu.memory_space<semaphore_mem>>
      tpu.enqueue_dma source(%arg2 : memref<1000000xf32, #tpu.memory_space<hbm>>) target(%arg10 : memref<1000000xf32, #tpu.memory_space<vmem_shared>>) target_semaphore(%run_scoped3A : memref<!tpu.dma_semaphore, #tpu.memory_space<semaphore_mem>>)
      tpu.wait_dma2 semaphore(%run_scoped3A : memref<!tpu.dma_semaphore, #tpu.memory_space<semaphore_mem>>) src(%arg2 : memref<1000000xf32, #tpu.memory_space<hbm>>) dst(%arg10 : memref<1000000xf32, #tpu.memory_space<vmem_shared>>)
      tpu.yield
    }) : () -> ()
    %semaphore_signal3A = arith.constant 1 : i32
    %semaphore_signal3A_0 = arith.constant 0 : i32
    tpu.sem_signal %arg13, %semaphore_signal3A core_id %arg0 subcore_id %semaphore_signal3A_0 : memref<!tpu.semaphore, #tpu.memory_space<semaphore_mem, sc_vector_subcore>>
    %semaphore_signal3A_1 = arith.constant 1 : i32
    %semaphore_signal3A_2 = arith.constant 1 : i32
    tpu.sem_signal %arg13, %semaphore_signal3A_1 core_id %arg0 subcore_id %semaphore_signal3A_2 : memref<!tpu.semaphore, #tpu.memory_space<semaphore_mem, sc_vector_subcore>>
    %semaphore_signal3A_3 = arith.constant 1 : i32
    %semaphore_signal3A_4 = arith.constant 2 : i32
    tpu.sem_signal %arg13, %semaphore_signal3A_3 core_id %arg0 subcore_id %semaphore_signal3A_4 : memref<!tpu.semaphore, #tpu.memory_space<semaphore_mem, sc_vector_subcore>>
    %semaphore_signal3A_5 = arith.constant 1 : i32
    %semaphore_signal3A_6 = arith.constant 3 : i32
    tpu.sem_signal %arg13, %semaphore_signal3A_5 core_id %arg0 subcore_id %semaphore_signal3A_6 : memref<!tpu.semaphore, #tpu.memory_space<semaphore_mem, sc_vector_subcore>>
    %semaphore_signal3A_7 = arith.constant 1 : i32
    %semaphore_signal3A_8 = arith.constant 4 : i32
    tpu.sem_signal %arg13, %semaphore_signal3A_7 core_id %arg0 subcore_id %semaphore_signal3A_8 : memref<!tpu.semaphore, #tpu.memory_space<semaphore_mem, sc_vector_subcore>>
    %semaphore_signal3A_9 = arith.constant 1 : i32
    %semaphore_signal3A_10 = arith.constant 5 : i32
    tpu.sem_signal %arg13, %semaphore_signal3A_9 core_id %arg0 subcore_id %semaphore_signal3A_10 : memref<!tpu.semaphore, #tpu.memory_space<semaphore_mem, sc_vector_subcore>>
    %semaphore_signal3A_11 = arith.constant 1 : i32
    %semaphore_signal3A_12 = arith.constant 6 : i32
    tpu.sem_signal %arg13, %semaphore_signal3A_11 core_id %arg0 subcore_id %semaphore_signal3A_12 : memref<!tpu.semaphore, #tpu.memory_space<semaphore_mem, sc_vector_subcore>>
    %semaphore_signal3A_13 = arith.constant 1 : i32
    %semaphore_signal3A_14 = arith.constant 7 : i32
    tpu.sem_signal %arg13, %semaphore_signal3A_13 core_id %arg0 subcore_id %semaphore_signal3A_14 : memref<!tpu.semaphore, #tpu.memory_space<semaphore_mem, sc_vector_subcore>>
    %semaphore_signal3A_15 = arith.constant 1 : i32
    %semaphore_signal3A_16 = arith.constant 8 : i32
    tpu.sem_signal %arg13, %semaphore_signal3A_15 core_id %arg0 subcore_id %semaphore_signal3A_16 : memref<!tpu.semaphore, #tpu.memory_space<semaphore_mem, sc_vector_subcore>>
    %semaphore_signal3A_17 = arith.constant 1 : i32
    %semaphore_signal3A_18 = arith.constant 9 : i32
    tpu.sem_signal %arg13, %semaphore_signal3A_17 core_id %arg0 subcore_id %semaphore_signal3A_18 : memref<!tpu.semaphore, #tpu.memory_space<semaphore_mem, sc_vector_subcore>>
    %semaphore_signal3A_19 = arith.constant 1 : i32
    %semaphore_signal3A_20 = arith.constant 10 : i32
    tpu.sem_signal %arg13, %semaphore_signal3A_19 core_id %arg0 subcore_id %semaphore_signal3A_20 : memref<!tpu.semaphore, #tpu.memory_space<semaphore_mem, sc_vector_subcore>>
    %semaphore_signal3A_21 = arith.constant 1 : i32
    %semaphore_signal3A_22 = arith.constant 11 : i32
    tpu.sem_signal %arg13, %semaphore_signal3A_21 core_id %arg0 subcore_id %semaphore_signal3A_22 : memref<!tpu.semaphore, #tpu.memory_space<semaphore_mem, sc_vector_subcore>>
    %semaphore_signal3A_23 = arith.constant 1 : i32
    %semaphore_signal3A_24 = arith.constant 12 : i32
    tpu.sem_signal %arg13, %semaphore_signal3A_23 core_id %arg0 subcore_id %semaphore_signal3A_24 : memref<!tpu.semaphore, #tpu.memory_space<semaphore_mem, sc_vector_subcore>>
    %semaphore_signal3A_25 = arith.constant 1 : i32
    %semaphore_signal3A_26 = arith.constant 13 : i32
    tpu.sem_signal %arg13, %semaphore_signal3A_25 core_id %arg0 subcore_id %semaphore_signal3A_26 : memref<!tpu.semaphore, #tpu.memory_space<semaphore_mem, sc_vector_subcore>>
    %semaphore_signal3A_27 = arith.constant 1 : i32
    %semaphore_signal3A_28 = arith.constant 14 : i32
    tpu.sem_signal %arg13, %semaphore_signal3A_27 core_id %arg0 subcore_id %semaphore_signal3A_28 : memref<!tpu.semaphore, #tpu.memory_space<semaphore_mem, sc_vector_subcore>>
    %semaphore_signal3A_29 = arith.constant 1 : i32
    %semaphore_signal3A_30 = arith.constant 15 : i32
    tpu.sem_signal %arg13, %semaphore_signal3A_29 core_id %arg0 subcore_id %semaphore_signal3A_30 : memref<!tpu.semaphore, #tpu.memory_space<semaphore_mem, sc_vector_subcore>>
    return
  }
  func.func @_tec_fn(%arg0: i32, %arg1: i32, %arg2: memref<26x16384xi32, #tpu.memory_space<hbm>>, %arg3: memref<1000000xf32, #tpu.memory_space<hbm>>, %arg4: memref<26x16384xf32, #tpu.memory_space<hbm>>, %arg5: memref<26x256xi32, #tpu.memory_space<vmem>>, %arg6: memref<6656xi32, #tpu.memory_space<vmem>>, %arg7: memref<6656xi32, #tpu.memory_space<vmem>>, %arg8: memref<6656xf32, #tpu.memory_space<vmem>>, %arg9: memref<6656xf32, #tpu.memory_space<vmem>>, %arg10: memref<26x256xf32, #tpu.memory_space<vmem>>, %arg11: memref<1000000xf32, #tpu.memory_space<vmem_shared>>, %arg12: memref<!tpu.dma_semaphore, #tpu.memory_space<semaphore_mem>>, %arg13: memref<!tpu.dma_semaphore, #tpu.memory_space<semaphore_mem>>, %arg14: memref<!tpu.semaphore, #tpu.memory_space<semaphore_mem>>) attributes {dimension_semantics = [#tpu.dimension_semantics<core_parallel>, #tpu.dimension_semantics<subcore_parallel>], iteration_bounds = array<i64: 2, 16>, scalar_prefetch = 0 : i64, scratch_operands = 10 : i64, tpu.core_type = #tpu.core_type<sc_vector_subcore>, window_params = [{transform_indices = #map2}, {transform_indices = #map3}, {transform_indices = #map2}]} {
    %mul3A = arith.constant 2 : i32
    %mul3A_0 = arith.muli %arg1, %mul3A : i32
    %add3A = arith.addi %mul3A_0, %arg0 : i32
    %mul3A_1 = arith.constant 512 : i32
    %mul3A_2 = arith.muli %add3A, %mul3A_1 : i32
    %add3A_3 = arith.constant 0 : i32
    %add3A_4 = arith.addi %mul3A_2, %add3A_3 : i32
    "tpu.region"() ({
      %run_scoped3A = tpu.sem_alloc : memref<!tpu.dma_semaphore, #tpu.memory_space<semaphore_mem>>
      %dma_start3A_37 = arith.constant 0 : i32
      %dma_start3A_38 = tpu.memref_slice %arg2[%dma_start3A_37, %add3A_4] : memref<26x16384xi32, #tpu.memory_space<hbm>> -> memref<26x256xi32, #tpu.memory_space<hbm>>
      %dma_start3A_39 = arith.constant 0 : i32
      %dma_start3A_40 = tpu.memref_slice %arg2[%dma_start3A_39, %add3A_4] : memref<26x16384xi32, #tpu.memory_space<hbm>> -> memref<26x256xi32, #tpu.memory_space<hbm>>
      tpu.enqueue_dma source(%dma_start3A_40 : memref<26x256xi32, #tpu.memory_space<hbm>>) target(%arg5 : memref<26x256xi32, #tpu.memory_space<vmem>>) target_semaphore(%run_scoped3A : memref<!tpu.dma_semaphore, #tpu.memory_space<semaphore_mem>>)
      %dma_wait3A_41 = arith.constant 0 : i32
      %dma_wait3A_42 = tpu.memref_slice %arg2[%dma_wait3A_41, %add3A_4] : memref<26x16384xi32, #tpu.memory_space<hbm>> -> memref<26x256xi32, #tpu.memory_space<hbm>>
      %dma_wait3A_43 = arith.constant 0 : i32
      %dma_wait3A_44 = tpu.memref_slice %arg2[%dma_wait3A_43, %add3A_4] : memref<26x16384xi32, #tpu.memory_space<hbm>> -> memref<26x256xi32, #tpu.memory_space<hbm>>
      tpu.wait_dma2 semaphore(%run_scoped3A : memref<!tpu.dma_semaphore, #tpu.memory_space<semaphore_mem>>) src(%dma_wait3A_44 : memref<26x256xi32, #tpu.memory_space<hbm>>) dst(%arg5 : memref<26x256xi32, #tpu.memory_space<vmem>>)
      tpu.yield
    }) : () -> ()
    %scan3A = arith.constant 0 : i32
    %scan3A_5 = arith.constant 26 : i32
    %scan3A_6 = arith.addi %scan3A, %scan3A_5 : i32
    %scan3A_7 = arith.constant 1 : i32
    scf.for %scan3A_37 = %scan3A to %scan3A_6 step %scan3A_7  : i32 {
      %get3A = arith.index_cast %scan3A_37 : i32 to index
      %get3A_38 = arith.constant 0 : index
      %get3A_39 = tpu.vector_load %arg5[%get3A, %get3A_38] {strides = array<i32>} : memref<26x256xi32, #tpu.memory_space<vmem>>, vector<1x16xi32>,
      %get3A_40 = vector.shape_cast %get3A_39 : vector<1x16xi32> to vector<16xi32>
      %mul3A_41 = arith.constant 256 : i32
      %mul3A_42 = arith.muli %scan3A_37, %mul3A_41 : i32
      %add3A_43 = arith.constant 0 : i32
      %add3A_44 = arith.addi %mul3A_42, %add3A_43 : i32
      %swap3A = arith.index_cast %add3A_44 : i32 to index
      %swap3A_45 = tpu.vector_load %arg6[%swap3A] {strides = array<i32>} : memref<6656xi32, #tpu.memory_space<vmem>>, vector<16xi32>,
      %swap3A_46 = vector.shape_cast %swap3A_45 : vector<16xi32> to vector<16xi32>
      %swap3A_47 = vector.shape_cast %get3A_40 : vector<16xi32> to vector<16xi32>
      tpu.vector_store %arg6[%swap3A], %swap3A_47 {strides = array<i32>} : memref<6656xi32, #tpu.memory_space<vmem>>, vector<16xi32>,
      %get3A_48 = arith.index_cast %scan3A_37 : i32 to index
      %get3A_49 = arith.constant 16 : index
      %get3A_50 = tpu.vector_load %arg5[%get3A_48, %get3A_49] {strides = array<i32>} : memref<26x256xi32, #tpu.memory_space<vmem>>, vector<1x16xi32>,
      %get3A_51 = vector.shape_cast %get3A_50 : vector<1x16xi32> to vector<16xi32>
      %mul3A_52 = arith.constant 256 : i32
      %mul3A_53 = arith.muli %scan3A_37, %mul3A_52 : i32
      %add3A_54 = arith.constant 16 : i32
      %add3A_55 = arith.addi %mul3A_53, %add3A_54 : i32
      %swap3A_56 = arith.index_cast %add3A_55 : i32 to index
      %swap3A_57 = tpu.vector_load %arg6[%swap3A_56] {strides = array<i32>} : memref<6656xi32, #tpu.memory_space<vmem>>, vector<16xi32>,
      %swap3A_58 = vector.shape_cast %swap3A_57 : vector<16xi32> to vector<16xi32>
      %swap3A_59 = vector.shape_cast %get3A_51 : vector<16xi32> to vector<16xi32>
      tpu.vector_store %arg6[%swap3A_56], %swap3A_59 {strides = array<i32>} : memref<6656xi32, #tpu.memory_space<vmem>>, vector<16xi32>,
      %get3A_60 = arith.index_cast %scan3A_37 : i32 to index
      %get3A_61 = arith.constant 32 : index
      %get3A_62 = tpu.vector_load %arg5[%get3A_60, %get3A_61] {strides = array<i32>} : memref<26x256xi32, #tpu.memory_space<vmem>>, vector<1x16xi32>,
      %get3A_63 = vector.shape_cast %get3A_62 : vector<1x16xi32> to vector<16xi32>
      %mul3A_64 = arith.constant 256 : i32
      %mul3A_65 = arith.muli %scan3A_37, %mul3A_64 : i32
      %add3A_66 = arith.constant 32 : i32
      %add3A_67 = arith.addi %mul3A_65, %add3A_66 : i32
      %swap3A_68 = arith.index_cast %add3A_67 : i32 to index
      %swap3A_69 = tpu.vector_load %arg6[%swap3A_68] {strides = array<i32>} : memref<6656xi32, #tpu.memory_space<vmem>>, vector<16xi32>,
      %swap3A_70 = vector.shape_cast %swap3A_69 : vector<16xi32> to vector<16xi32>
      %swap3A_71 = vector.shape_cast %get3A_63 : vector<16xi32> to vector<16xi32>
      tpu.vector_store %arg6[%swap3A_68], %swap3A_71 {strides = array<i32>} : memref<6656xi32, #tpu.memory_space<vmem>>, vector<16xi32>,
      %get3A_72 = arith.index_cast %scan3A_37 : i32 to index
      %get3A_73 = arith.constant 48 : index
      %get3A_74 = tpu.vector_load %arg5[%get3A_72, %get3A_73] {strides = array<i32>} : memref<26x256xi32, #tpu.memory_space<vmem>>, vector<1x16xi32>,
      %get3A_75 = vector.shape_cast %get3A_74 : vector<1x16xi32> to vector<16xi32>
      %mul3A_76 = arith.constant 256 : i32
      %mul3A_77 = arith.muli %scan3A_37, %mul3A_76 : i32
      %add3A_78 = arith.constant 48 : i32
      %add3A_79 = arith.addi %mul3A_77, %add3A_78 : i32
      %swap3A_80 = arith.index_cast %add3A_79 : i32 to index
      %swap3A_81 = tpu.vector_load %arg6[%swap3A_80] {strides = array<i32>} : memref<6656xi32, #tpu.memory_space<vmem>>, vector<16xi32>,
      %swap3A_82 = vector.shape_cast %swap3A_81 : vector<16xi32> to vector<16xi32>
      %swap3A_83 = vector.shape_cast %get3A_75 : vector<16xi32> to vector<16xi32>
      tpu.vector_store %arg6[%swap3A_80], %swap3A_83 {strides = array<i32>} : memref<6656xi32, #tpu.memory_space<vmem>>, vector<16xi32>,
      %get3A_84 = arith.index_cast %scan3A_37 : i32 to index
      %get3A_85 = arith.constant 64 : index
      %get3A_86 = tpu.vector_load %arg5[%get3A_84, %get3A_85] {strides = array<i32>} : memref<26x256xi32, #tpu.memory_space<vmem>>, vector<1x16xi32>,
      %get3A_87 = vector.shape_cast %get3A_86 : vector<1x16xi32> to vector<16xi32>
      %mul3A_88 = arith.constant 256 : i32
      %mul3A_89 = arith.muli %scan3A_37, %mul3A_88 : i32
      %add3A_90 = arith.constant 64 : i32
      %add3A_91 = arith.addi %mul3A_89, %add3A_90 : i32
      %swap3A_92 = arith.index_cast %add3A_91 : i32 to index
      %swap3A_93 = tpu.vector_load %arg6[%swap3A_92] {strides = array<i32>} : memref<6656xi32, #tpu.memory_space<vmem>>, vector<16xi32>,
      %swap3A_94 = vector.shape_cast %swap3A_93 : vector<16xi32> to vector<16xi32>
      %swap3A_95 = vector.shape_cast %get3A_87 : vector<16xi32> to vector<16xi32>
      tpu.vector_store %arg6[%swap3A_92], %swap3A_95 {strides = array<i32>} : memref<6656xi32, #tpu.memory_space<vmem>>, vector<16xi32>,
      %get3A_96 = arith.index_cast %scan3A_37 : i32 to index
      %get3A_97 = arith.constant 80 : index
      %get3A_98 = tpu.vector_load %arg5[%get3A_96, %get3A_97] {strides = array<i32>} : memref<26x256xi32, #tpu.memory_space<vmem>>, vector<1x16xi32>,
      %get3A_99 = vector.shape_cast %get3A_98 : vector<1x16xi32> to vector<16xi32>
      %mul3A_100 = arith.constant 256 : i32
      %mul3A_101 = arith.muli %scan3A_37, %mul3A_100 : i32
      %add3A_102 = arith.constant 80 : i32
      %add3A_103 = arith.addi %mul3A_101, %add3A_102 : i32
      %swap3A_104 = arith.index_cast %add3A_103 : i32 to index
      %swap3A_105 = tpu.vector_load %arg6[%swap3A_104] {strides = array<i32>} : memref<6656xi32, #tpu.memory_space<vmem>>, vector<16xi32>,
      %swap3A_106 = vector.shape_cast %swap3A_105 : vector<16xi32> to vector<16xi32>
      %swap3A_107 = vector.shape_cast %get3A_99 : vector<16xi32> to vector<16xi32>
      tpu.vector_store %arg6[%swap3A_104], %swap3A_107 {strides = array<i32>} : memref<6656xi32, #tpu.memory_space<vmem>>, vector<16xi32>,
      %get3A_108 = arith.index_cast %scan3A_37 : i32 to index
      %get3A_109 = arith.constant 96 : index
      %get3A_110 = tpu.vector_load %arg5[%get3A_108, %get3A_109] {strides = array<i32>} : memref<26x256xi32, #tpu.memory_space<vmem>>, vector<1x16xi32>,
      %get3A_111 = vector.shape_cast %get3A_110 : vector<1x16xi32> to vector<16xi32>
      %mul3A_112 = arith.constant 256 : i32
      %mul3A_113 = arith.muli %scan3A_37, %mul3A_112 : i32
      %add3A_114 = arith.constant 96 : i32
      %add3A_115 = arith.addi %mul3A_113, %add3A_114 : i32
      %swap3A_116 = arith.index_cast %add3A_115 : i32 to index
      %swap3A_117 = tpu.vector_load %arg6[%swap3A_116] {strides = array<i32>} : memref<6656xi32, #tpu.memory_space<vmem>>, vector<16xi32>,
      %swap3A_118 = vector.shape_cast %swap3A_117 : vector<16xi32> to vector<16xi32>
      %swap3A_119 = vector.shape_cast %get3A_111 : vector<16xi32> to vector<16xi32>
      tpu.vector_store %arg6[%swap3A_116], %swap3A_119 {strides = array<i32>} : memref<6656xi32, #tpu.memory_space<vmem>>, vector<16xi32>,
      %get3A_120 = arith.index_cast %scan3A_37 : i32 to index
      %get3A_121 = arith.constant 112 : index
      %get3A_122 = tpu.vector_load %arg5[%get3A_120, %get3A_121] {strides = array<i32>} : memref<26x256xi32, #tpu.memory_space<vmem>>, vector<1x16xi32>,
      %get3A_123 = vector.shape_cast %get3A_122 : vector<1x16xi32> to vector<16xi32>
      %mul3A_124 = arith.constant 256 : i32
      %mul3A_125 = arith.muli %scan3A_37, %mul3A_124 : i32
      %add3A_126 = arith.constant 112 : i32
      %add3A_127 = arith.addi %mul3A_125, %add3A_126 : i32
      %swap3A_128 = arith.index_cast %add3A_127 : i32 to index
      %swap3A_129 = tpu.vector_load %arg6[%swap3A_128] {strides = array<i32>} : memref<6656xi32, #tpu.memory_space<vmem>>, vector<16xi32>,
      %swap3A_130 = vector.shape_cast %swap3A_129 : vector<16xi32> to vector<16xi32>
      %swap3A_131 = vector.shape_cast %get3A_123 : vector<16xi32> to vector<16xi32>
      tpu.vector_store %arg6[%swap3A_128], %swap3A_131 {strides = array<i32>} : memref<6656xi32, #tpu.memory_space<vmem>>, vector<16xi32>,
      %get3A_132 = arith.index_cast %scan3A_37 : i32 to index
      %get3A_133 = arith.constant 128 : index
      %get3A_134 = tpu.vector_load %arg5[%get3A_132, %get3A_133] {strides = array<i32>} : memref<26x256xi32, #tpu.memory_space<vmem>>, vector<1x16xi32>,
      %get3A_135 = vector.shape_cast %get3A_134 : vector<1x16xi32> to vector<16xi32>
      %mul3A_136 = arith.constant 256 : i32
      %mul3A_137 = arith.muli %scan3A_37, %mul3A_136 : i32
      %add3A_138 = arith.constant 128 : i32
      %add3A_139 = arith.addi %mul3A_137, %add3A_138 : i32
      %swap3A_140 = arith.index_cast %add3A_139 : i32 to index
      %swap3A_141 = tpu.vector_load %arg6[%swap3A_140] {strides = array<i32>} : memref<6656xi32, #tpu.memory_space<vmem>>, vector<16xi32>,
      %swap3A_142 = vector.shape_cast %swap3A_141 : vector<16xi32> to vector<16xi32>
      %swap3A_143 = vector.shape_cast %get3A_135 : vector<16xi32> to vector<16xi32>
      tpu.vector_store %arg6[%swap3A_140], %swap3A_143 {strides = array<i32>} : memref<6656xi32, #tpu.memory_space<vmem>>, vector<16xi32>,
      %get3A_144 = arith.index_cast %scan3A_37 : i32 to index
      %get3A_145 = arith.constant 144 : index
      %get3A_146 = tpu.vector_load %arg5[%get3A_144, %get3A_145] {strides = array<i32>} : memref<26x256xi32, #tpu.memory_space<vmem>>, vector<1x16xi32>,
      %get3A_147 = vector.shape_cast %get3A_146 : vector<1x16xi32> to vector<16xi32>
      %mul3A_148 = arith.constant 256 : i32
      %mul3A_149 = arith.muli %scan3A_37, %mul3A_148 : i32
      %add3A_150 = arith.constant 144 : i32
      %add3A_151 = arith.addi %mul3A_149, %add3A_150 : i32
      %swap3A_152 = arith.index_cast %add3A_151 : i32 to index
      %swap3A_153 = tpu.vector_load %arg6[%swap3A_152] {strides = array<i32>} : memref<6656xi32, #tpu.memory_space<vmem>>, vector<16xi32>,
      %swap3A_154 = vector.shape_cast %swap3A_153 : vector<16xi32> to vector<16xi32>
      %swap3A_155 = vector.shape_cast %get3A_147 : vector<16xi32> to vector<16xi32>
      tpu.vector_store %arg6[%swap3A_152], %swap3A_155 {strides = array<i32>} : memref<6656xi32, #tpu.memory_space<vmem>>, vector<16xi32>,
      %get3A_156 = arith.index_cast %scan3A_37 : i32 to index
      %get3A_157 = arith.constant 160 : index
      %get3A_158 = tpu.vector_load %arg5[%get3A_156, %get3A_157] {strides = array<i32>} : memref<26x256xi32, #tpu.memory_space<vmem>>, vector<1x16xi32>,
      %get3A_159 = vector.shape_cast %get3A_158 : vector<1x16xi32> to vector<16xi32>
      %mul3A_160 = arith.constant 256 : i32
      %mul3A_161 = arith.muli %scan3A_37, %mul3A_160 : i32
      %add3A_162 = arith.constant 160 : i32
      %add3A_163 = arith.addi %mul3A_161, %add3A_162 : i32
      %swap3A_164 = arith.index_cast %add3A_163 : i32 to index
      %swap3A_165 = tpu.vector_load %arg6[%swap3A_164] {strides = array<i32>} : memref<6656xi32, #tpu.memory_space<vmem>>, vector<16xi32>,
      %swap3A_166 = vector.shape_cast %swap3A_165 : vector<16xi32> to vector<16xi32>
      %swap3A_167 = vector.shape_cast %get3A_159 : vector<16xi32> to vector<16xi32>
      tpu.vector_store %arg6[%swap3A_164], %swap3A_167 {strides = array<i32>} : memref<6656xi32, #tpu.memory_space<vmem>>, vector<16xi32>,
      %get3A_168 = arith.index_cast %scan3A_37 : i32 to index
      %get3A_169 = arith.constant 176 : index
      %get3A_170 = tpu.vector_load %arg5[%get3A_168, %get3A_169] {strides = array<i32>} : memref<26x256xi32, #tpu.memory_space<vmem>>, vector<1x16xi32>,
      %get3A_171 = vector.shape_cast %get3A_170 : vector<1x16xi32> to vector<16xi32>
      %mul3A_172 = arith.constant 256 : i32
      %mul3A_173 = arith.muli %scan3A_37, %mul3A_172 : i32
      %add3A_174 = arith.constant 176 : i32
      %add3A_175 = arith.addi %mul3A_173, %add3A_174 : i32
      %swap3A_176 = arith.index_cast %add3A_175 : i32 to index
      %swap3A_177 = tpu.vector_load %arg6[%swap3A_176] {strides = array<i32>} : memref<6656xi32, #tpu.memory_space<vmem>>, vector<16xi32>,
      %swap3A_178 = vector.shape_cast %swap3A_177 : vector<16xi32> to vector<16xi32>
      %swap3A_179 = vector.shape_cast %get3A_171 : vector<16xi32> to vector<16xi32>
      tpu.vector_store %arg6[%swap3A_176], %swap3A_179 {strides = array<i32>} : memref<6656xi32, #tpu.memory_space<vmem>>, vector<16xi32>,
      %get3A_180 = arith.index_cast %scan3A_37 : i32 to index
      %get3A_181 = arith.constant 192 : index
      %get3A_182 = tpu.vector_load %arg5[%get3A_180, %get3A_181] {strides = array<i32>} : memref<26x256xi32, #tpu.memory_space<vmem>>, vector<1x16xi32>,
      %get3A_183 = vector.shape_cast %get3A_182 : vector<1x16xi32> to vector<16xi32>
      %mul3A_184 = arith.constant 256 : i32
      %mul3A_185 = arith.muli %scan3A_37, %mul3A_184 : i32
      %add3A_186 = arith.constant 192 : i32
      %add3A_187 = arith.addi %mul3A_185, %add3A_186 : i32
      %swap3A_188 = arith.index_cast %add3A_187 : i32 to index
      %swap3A_189 = tpu.vector_load %arg6[%swap3A_188] {strides = array<i32>} : memref<6656xi32, #tpu.memory_space<vmem>>, vector<16xi32>,
      %swap3A_190 = vector.shape_cast %swap3A_189 : vector<16xi32> to vector<16xi32>
      %swap3A_191 = vector.shape_cast %get3A_183 : vector<16xi32> to vector<16xi32>
      tpu.vector_store %arg6[%swap3A_188], %swap3A_191 {strides = array<i32>} : memref<6656xi32, #tpu.memory_space<vmem>>, vector<16xi32>,
      %get3A_192 = arith.index_cast %scan3A_37 : i32 to index
      %get3A_193 = arith.constant 208 : index
      %get3A_194 = tpu.vector_load %arg5[%get3A_192, %get3A_193] {strides = array<i32>} : memref<26x256xi32, #tpu.memory_space<vmem>>, vector<1x16xi32>,
      %get3A_195 = vector.shape_cast %get3A_194 : vector<1x16xi32> to vector<16xi32>
      %mul3A_196 = arith.constant 256 : i32
      %mul3A_197 = arith.muli %scan3A_37, %mul3A_196 : i32
      %add3A_198 = arith.constant 208 : i32
      %add3A_199 = arith.addi %mul3A_197, %add3A_198 : i32
      %swap3A_200 = arith.index_cast %add3A_199 : i32 to index
      %swap3A_201 = tpu.vector_load %arg6[%swap3A_200] {strides = array<i32>} : memref<6656xi32, #tpu.memory_space<vmem>>, vector<16xi32>,
      %swap3A_202 = vector.shape_cast %swap3A_201 : vector<16xi32> to vector<16xi32>
      %swap3A_203 = vector.shape_cast %get3A_195 : vector<16xi32> to vector<16xi32>
      tpu.vector_store %arg6[%swap3A_200], %swap3A_203 {strides = array<i32>} : memref<6656xi32, #tpu.memory_space<vmem>>, vector<16xi32>,
      %get3A_204 = arith.index_cast %scan3A_37 : i32 to index
      %get3A_205 = arith.constant 224 : index
      %get3A_206 = tpu.vector_load %arg5[%get3A_204, %get3A_205] {strides = array<i32>} : memref<26x256xi32, #tpu.memory_space<vmem>>, vector<1x16xi32>,
      %get3A_207 = vector.shape_cast %get3A_206 : vector<1x16xi32> to vector<16xi32>
      %mul3A_208 = arith.constant 256 : i32
      %mul3A_209 = arith.muli %scan3A_37, %mul3A_208 : i32
      %add3A_210 = arith.constant 224 : i32
      %add3A_211 = arith.addi %mul3A_209, %add3A_210 : i32
      %swap3A_212 = arith.index_cast %add3A_211 : i32 to index
      %swap3A_213 = tpu.vector_load %arg6[%swap3A_212] {strides = array<i32>} : memref<6656xi32, #tpu.memory_space<vmem>>, vector<16xi32>,
      %swap3A_214 = vector.shape_cast %swap3A_213 : vector<16xi32> to vector<16xi32>
      %swap3A_215 = vector.shape_cast %get3A_207 : vector<16xi32> to vector<16xi32>
      tpu.vector_store %arg6[%swap3A_212], %swap3A_215 {strides = array<i32>} : memref<6656xi32, #tpu.memory_space<vmem>>, vector<16xi32>,
      %get3A_216 = arith.index_cast %scan3A_37 : i32 to index
      %get3A_217 = arith.constant 240 : index
      %get3A_218 = tpu.vector_load %arg5[%get3A_216, %get3A_217] {strides = array<i32>} : memref<26x256xi32, #tpu.memory_space<vmem>>, vector<1x16xi32>,
      %get3A_219 = vector.shape_cast %get3A_218 : vector<1x16xi32> to vector<16xi32>
      %mul3A_220 = arith.constant 256 : i32
      %mul3A_221 = arith.muli %scan3A_37, %mul3A_220 : i32
      %add3A_222 = arith.constant 240 : i32
      %add3A_223 = arith.addi %mul3A_221, %add3A_222 : i32
      %swap3A_224 = arith.index_cast %add3A_223 : i32 to index
      %swap3A_225 = tpu.vector_load %arg6[%swap3A_224] {strides = array<i32>} : memref<6656xi32, #tpu.memory_space<vmem>>, vector<16xi32>,
      %swap3A_226 = vector.shape_cast %swap3A_225 : vector<16xi32> to vector<16xi32>
      %swap3A_227 = vector.shape_cast %get3A_219 : vector<16xi32> to vector<16xi32>
      tpu.vector_store %arg6[%swap3A_224], %swap3A_227 {strides = array<i32>} : memref<6656xi32, #tpu.memory_space<vmem>>, vector<16xi32>,
    }
    %scan3A_8 = arith.constant 26 : i32
    %add3A_9 = arith.constant 256 : i32
    %add3A_10 = arith.addi %mul3A_2, %add3A_9 : i32
    "tpu.region"() ({
      %run_scoped3A = tpu.sem_alloc : memref<!tpu.dma_semaphore, #tpu.memory_space<semaphore_mem>>
      %dma_start3A_37 = arith.constant 0 : i32
      %dma_start3A_38 = tpu.memref_slice %arg2[%dma_start3A_37, %add3A_10] : memref<26x16384xi32, #tpu.memory_space<hbm>> -> memref<26x256xi32, #tpu.memory_space<hbm>>
      %dma_start3A_39 = arith.constant 0 : i32
      %dma_start3A_40 = tpu.memref_slice %arg2[%dma_start3A_39, %add3A_10] : memref<26x16384xi32, #tpu.memory_space<hbm>> -> memref<26x256xi32, #tpu.memory_space<hbm>>
      tpu.enqueue_dma source(%dma_start3A_40 : memref<26x256xi32, #tpu.memory_space<hbm>>) target(%arg5 : memref<26x256xi32, #tpu.memory_space<vmem>>) target_semaphore(%run_scoped3A : memref<!tpu.dma_semaphore, #tpu.memory_space<semaphore_mem>>)
      %dma_wait3A_41 = arith.constant 0 : i32
      %dma_wait3A_42 = tpu.memref_slice %arg2[%dma_wait3A_41, %add3A_10] : memref<26x16384xi32, #tpu.memory_space<hbm>> -> memref<26x256xi32, #tpu.memory_space<hbm>>
      %dma_wait3A_43 = arith.constant 0 : i32
      %dma_wait3A_44 = tpu.memref_slice %arg2[%dma_wait3A_43, %add3A_10] : memref<26x16384xi32, #tpu.memory_space<hbm>> -> memref<26x256xi32, #tpu.memory_space<hbm>>
      tpu.wait_dma2 semaphore(%run_scoped3A : memref<!tpu.dma_semaphore, #tpu.memory_space<semaphore_mem>>) src(%dma_wait3A_44 : memref<26x256xi32, #tpu.memory_space<hbm>>) dst(%arg5 : memref<26x256xi32, #tpu.memory_space<vmem>>)
      tpu.yield
    }) : () -> ()
    %scan3A_11 = arith.constant 0 : i32
    %scan3A_12 = arith.constant 26 : i32
    %scan3A_13 = arith.addi %scan3A_11, %scan3A_12 : i32
    %scan3A_14 = arith.constant 1 : i32
    scf.for %scan3A_37 = %scan3A_11 to %scan3A_13 step %scan3A_14  : i32 {
      %get3A = arith.index_cast %scan3A_37 : i32 to index
      %get3A_38 = arith.constant 0 : index
      %get3A_39 = tpu.vector_load %arg5[%get3A, %get3A_38] {strides = array<i32>} : memref<26x256xi32, #tpu.memory_space<vmem>>, vector<1x16xi32>,
      %get3A_40 = vector.shape_cast %get3A_39 : vector<1x16xi32> to vector<16xi32>
      %mul3A_41 = arith.constant 256 : i32
      %mul3A_42 = arith.muli %scan3A_37, %mul3A_41 : i32
      %add3A_43 = arith.constant 0 : i32
      %add3A_44 = arith.addi %mul3A_42, %add3A_43 : i32
      %swap3A = arith.index_cast %add3A_44 : i32 to index
      %swap3A_45 = tpu.vector_load %arg7[%swap3A] {strides = array<i32>} : memref<6656xi32, #tpu.memory_space<vmem>>, vector<16xi32>,
      %swap3A_46 = vector.shape_cast %swap3A_45 : vector<16xi32> to vector<16xi32>
      %swap3A_47 = vector.shape_cast %get3A_40 : vector<16xi32> to vector<16xi32>
      tpu.vector_store %arg7[%swap3A], %swap3A_47 {strides = array<i32>} : memref<6656xi32, #tpu.memory_space<vmem>>, vector<16xi32>,
      %get3A_48 = arith.index_cast %scan3A_37 : i32 to index
      %get3A_49 = arith.constant 16 : index
      %get3A_50 = tpu.vector_load %arg5[%get3A_48, %get3A_49] {strides = array<i32>} : memref<26x256xi32, #tpu.memory_space<vmem>>, vector<1x16xi32>,
      %get3A_51 = vector.shape_cast %get3A_50 : vector<1x16xi32> to vector<16xi32>
      %mul3A_52 = arith.constant 256 : i32
      %mul3A_53 = arith.muli %scan3A_37, %mul3A_52 : i32
      %add3A_54 = arith.constant 16 : i32
      %add3A_55 = arith.addi %mul3A_53, %add3A_54 : i32
      %swap3A_56 = arith.index_cast %add3A_55 : i32 to index
      %swap3A_57 = tpu.vector_load %arg7[%swap3A_56] {strides = array<i32>} : memref<6656xi32, #tpu.memory_space<vmem>>, vector<16xi32>,
      %swap3A_58 = vector.shape_cast %swap3A_57 : vector<16xi32> to vector<16xi32>
      %swap3A_59 = vector.shape_cast %get3A_51 : vector<16xi32> to vector<16xi32>
      tpu.vector_store %arg7[%swap3A_56], %swap3A_59 {strides = array<i32>} : memref<6656xi32, #tpu.memory_space<vmem>>, vector<16xi32>,
      %get3A_60 = arith.index_cast %scan3A_37 : i32 to index
      %get3A_61 = arith.constant 32 : index
      %get3A_62 = tpu.vector_load %arg5[%get3A_60, %get3A_61] {strides = array<i32>} : memref<26x256xi32, #tpu.memory_space<vmem>>, vector<1x16xi32>,
      %get3A_63 = vector.shape_cast %get3A_62 : vector<1x16xi32> to vector<16xi32>
      %mul3A_64 = arith.constant 256 : i32
      %mul3A_65 = arith.muli %scan3A_37, %mul3A_64 : i32
      %add3A_66 = arith.constant 32 : i32
      %add3A_67 = arith.addi %mul3A_65, %add3A_66 : i32
      %swap3A_68 = arith.index_cast %add3A_67 : i32 to index
      %swap3A_69 = tpu.vector_load %arg7[%swap3A_68] {strides = array<i32>} : memref<6656xi32, #tpu.memory_space<vmem>>, vector<16xi32>,
      %swap3A_70 = vector.shape_cast %swap3A_69 : vector<16xi32> to vector<16xi32>
      %swap3A_71 = vector.shape_cast %get3A_63 : vector<16xi32> to vector<16xi32>
      tpu.vector_store %arg7[%swap3A_68], %swap3A_71 {strides = array<i32>} : memref<6656xi32, #tpu.memory_space<vmem>>, vector<16xi32>,
      %get3A_72 = arith.index_cast %scan3A_37 : i32 to index
      %get3A_73 = arith.constant 48 : index
      %get3A_74 = tpu.vector_load %arg5[%get3A_72, %get3A_73] {strides = array<i32>} : memref<26x256xi32, #tpu.memory_space<vmem>>, vector<1x16xi32>,
      %get3A_75 = vector.shape_cast %get3A_74 : vector<1x16xi32> to vector<16xi32>
      %mul3A_76 = arith.constant 256 : i32
      %mul3A_77 = arith.muli %scan3A_37, %mul3A_76 : i32
      %add3A_78 = arith.constant 48 : i32
      %add3A_79 = arith.addi %mul3A_77, %add3A_78 : i32
      %swap3A_80 = arith.index_cast %add3A_79 : i32 to index
      %swap3A_81 = tpu.vector_load %arg7[%swap3A_80] {strides = array<i32>} : memref<6656xi32, #tpu.memory_space<vmem>>, vector<16xi32>,
      %swap3A_82 = vector.shape_cast %swap3A_81 : vector<16xi32> to vector<16xi32>
      %swap3A_83 = vector.shape_cast %get3A_75 : vector<16xi32> to vector<16xi32>
      tpu.vector_store %arg7[%swap3A_80], %swap3A_83 {strides = array<i32>} : memref<6656xi32, #tpu.memory_space<vmem>>, vector<16xi32>,
      %get3A_84 = arith.index_cast %scan3A_37 : i32 to index
      %get3A_85 = arith.constant 64 : index
      %get3A_86 = tpu.vector_load %arg5[%get3A_84, %get3A_85] {strides = array<i32>} : memref<26x256xi32, #tpu.memory_space<vmem>>, vector<1x16xi32>,
      %get3A_87 = vector.shape_cast %get3A_86 : vector<1x16xi32> to vector<16xi32>
      %mul3A_88 = arith.constant 256 : i32
      %mul3A_89 = arith.muli %scan3A_37, %mul3A_88 : i32
      %add3A_90 = arith.constant 64 : i32
      %add3A_91 = arith.addi %mul3A_89, %add3A_90 : i32
      %swap3A_92 = arith.index_cast %add3A_91 : i32 to index
      %swap3A_93 = tpu.vector_load %arg7[%swap3A_92] {strides = array<i32>} : memref<6656xi32, #tpu.memory_space<vmem>>, vector<16xi32>,
      %swap3A_94 = vector.shape_cast %swap3A_93 : vector<16xi32> to vector<16xi32>
      %swap3A_95 = vector.shape_cast %get3A_87 : vector<16xi32> to vector<16xi32>
      tpu.vector_store %arg7[%swap3A_92], %swap3A_95 {strides = array<i32>} : memref<6656xi32, #tpu.memory_space<vmem>>, vector<16xi32>,
      %get3A_96 = arith.index_cast %scan3A_37 : i32 to index
      %get3A_97 = arith.constant 80 : index
      %get3A_98 = tpu.vector_load %arg5[%get3A_96, %get3A_97] {strides = array<i32>} : memref<26x256xi32, #tpu.memory_space<vmem>>, vector<1x16xi32>,
      %get3A_99 = vector.shape_cast %get3A_98 : vector<1x16xi32> to vector<16xi32>
      %mul3A_100 = arith.constant 256 : i32
      %mul3A_101 = arith.muli %scan3A_37, %mul3A_100 : i32
      %add3A_102 = arith.constant 80 : i32
      %add3A_103 = arith.addi %mul3A_101, %add3A_102 : i32
      %swap3A_104 = arith.index_cast %add3A_103 : i32 to index
      %swap3A_105 = tpu.vector_load %arg7[%swap3A_104] {strides = array<i32>} : memref<6656xi32, #tpu.memory_space<vmem>>, vector<16xi32>,
      %swap3A_106 = vector.shape_cast %swap3A_105 : vector<16xi32> to vector<16xi32>
      %swap3A_107 = vector.shape_cast %get3A_99 : vector<16xi32> to vector<16xi32>
      tpu.vector_store %arg7[%swap3A_104], %swap3A_107 {strides = array<i32>} : memref<6656xi32, #tpu.memory_space<vmem>>, vector<16xi32>,
      %get3A_108 = arith.index_cast %scan3A_37 : i32 to index
      %get3A_109 = arith.constant 96 : index
      %get3A_110 = tpu.vector_load %arg5[%get3A_108, %get3A_109] {strides = array<i32>} : memref<26x256xi32, #tpu.memory_space<vmem>>, vector<1x16xi32>,
      %get3A_111 = vector.shape_cast %get3A_110 : vector<1x16xi32> to vector<16xi32>
      %mul3A_112 = arith.constant 256 : i32
      %mul3A_113 = arith.muli %scan3A_37, %mul3A_112 : i32
      %add3A_114 = arith.constant 96 : i32
      %add3A_115 = arith.addi %mul3A_113, %add3A_114 : i32
      %swap3A_116 = arith.index_cast %add3A_115 : i32 to index
      %swap3A_117 = tpu.vector_load %arg7[%swap3A_116] {strides = array<i32>} : memref<6656xi32, #tpu.memory_space<vmem>>, vector<16xi32>,
      %swap3A_118 = vector.shape_cast %swap3A_117 : vector<16xi32> to vector<16xi32>
      %swap3A_119 = vector.shape_cast %get3A_111 : vector<16xi32> to vector<16xi32>
      tpu.vector_store %arg7[%swap3A_116], %swap3A_119 {strides = array<i32>} : memref<6656xi32, #tpu.memory_space<vmem>>, vector<16xi32>,
      %get3A_120 = arith.index_cast %scan3A_37 : i32 to index
      %get3A_121 = arith.constant 112 : index
      %get3A_122 = tpu.vector_load %arg5[%get3A_120, %get3A_121] {strides = array<i32>} : memref<26x256xi32, #tpu.memory_space<vmem>>, vector<1x16xi32>,
      %get3A_123 = vector.shape_cast %get3A_122 : vector<1x16xi32> to vector<16xi32>
      %mul3A_124 = arith.constant 256 : i32
      %mul3A_125 = arith.muli %scan3A_37, %mul3A_124 : i32
      %add3A_126 = arith.constant 112 : i32
      %add3A_127 = arith.addi %mul3A_125, %add3A_126 : i32
      %swap3A_128 = arith.index_cast %add3A_127 : i32 to index
      %swap3A_129 = tpu.vector_load %arg7[%swap3A_128] {strides = array<i32>} : memref<6656xi32, #tpu.memory_space<vmem>>, vector<16xi32>,
      %swap3A_130 = vector.shape_cast %swap3A_129 : vector<16xi32> to vector<16xi32>
      %swap3A_131 = vector.shape_cast %get3A_123 : vector<16xi32> to vector<16xi32>
      tpu.vector_store %arg7[%swap3A_128], %swap3A_131 {strides = array<i32>} : memref<6656xi32, #tpu.memory_space<vmem>>, vector<16xi32>,
      %get3A_132 = arith.index_cast %scan3A_37 : i32 to index
      %get3A_133 = arith.constant 128 : index
      %get3A_134 = tpu.vector_load %arg5[%get3A_132, %get3A_133] {strides = array<i32>} : memref<26x256xi32, #tpu.memory_space<vmem>>, vector<1x16xi32>,
      %get3A_135 = vector.shape_cast %get3A_134 : vector<1x16xi32> to vector<16xi32>
      %mul3A_136 = arith.constant 256 : i32
      %mul3A_137 = arith.muli %scan3A_37, %mul3A_136 : i32
      %add3A_138 = arith.constant 128 : i32
      %add3A_139 = arith.addi %mul3A_137, %add3A_138 : i32
      %swap3A_140 = arith.index_cast %add3A_139 : i32 to index
      %swap3A_141 = tpu.vector_load %arg7[%swap3A_140] {strides = array<i32>} : memref<6656xi32, #tpu.memory_space<vmem>>, vector<16xi32>,
      %swap3A_142 = vector.shape_cast %swap3A_141 : vector<16xi32> to vector<16xi32>
      %swap3A_143 = vector.shape_cast %get3A_135 : vector<16xi32> to vector<16xi32>
      tpu.vector_store %arg7[%swap3A_140], %swap3A_143 {strides = array<i32>} : memref<6656xi32, #tpu.memory_space<vmem>>, vector<16xi32>,
      %get3A_144 = arith.index_cast %scan3A_37 : i32 to index
      %get3A_145 = arith.constant 144 : index
      %get3A_146 = tpu.vector_load %arg5[%get3A_144, %get3A_145] {strides = array<i32>} : memref<26x256xi32, #tpu.memory_space<vmem>>, vector<1x16xi32>,
      %get3A_147 = vector.shape_cast %get3A_146 : vector<1x16xi32> to vector<16xi32>
      %mul3A_148 = arith.constant 256 : i32
      %mul3A_149 = arith.muli %scan3A_37, %mul3A_148 : i32
      %add3A_150 = arith.constant 144 : i32
      %add3A_151 = arith.addi %mul3A_149, %add3A_150 : i32
      %swap3A_152 = arith.index_cast %add3A_151 : i32 to index
      %swap3A_153 = tpu.vector_load %arg7[%swap3A_152] {strides = array<i32>} : memref<6656xi32, #tpu.memory_space<vmem>>, vector<16xi32>,
      %swap3A_154 = vector.shape_cast %swap3A_153 : vector<16xi32> to vector<16xi32>
      %swap3A_155 = vector.shape_cast %get3A_147 : vector<16xi32> to vector<16xi32>
      tpu.vector_store %arg7[%swap3A_152], %swap3A_155 {strides = array<i32>} : memref<6656xi32, #tpu.memory_space<vmem>>, vector<16xi32>,
      %get3A_156 = arith.index_cast %scan3A_37 : i32 to index
      %get3A_157 = arith.constant 160 : index
      %get3A_158 = tpu.vector_load %arg5[%get3A_156, %get3A_157] {strides = array<i32>} : memref<26x256xi32, #tpu.memory_space<vmem>>, vector<1x16xi32>,
      %get3A_159 = vector.shape_cast %get3A_158 : vector<1x16xi32> to vector<16xi32>
      %mul3A_160 = arith.constant 256 : i32
      %mul3A_161 = arith.muli %scan3A_37, %mul3A_160 : i32
      %add3A_162 = arith.constant 160 : i32
      %add3A_163 = arith.addi %mul3A_161, %add3A_162 : i32
      %swap3A_164 = arith.index_cast %add3A_163 : i32 to index
      %swap3A_165 = tpu.vector_load %arg7[%swap3A_164] {strides = array<i32>} : memref<6656xi32, #tpu.memory_space<vmem>>, vector<16xi32>,
      %swap3A_166 = vector.shape_cast %swap3A_165 : vector<16xi32> to vector<16xi32>
      %swap3A_167 = vector.shape_cast %get3A_159 : vector<16xi32> to vector<16xi32>
      tpu.vector_store %arg7[%swap3A_164], %swap3A_167 {strides = array<i32>} : memref<6656xi32, #tpu.memory_space<vmem>>, vector<16xi32>,
      %get3A_168 = arith.index_cast %scan3A_37 : i32 to index
      %get3A_169 = arith.constant 176 : index
      %get3A_170 = tpu.vector_load %arg5[%get3A_168, %get3A_169] {strides = array<i32>} : memref<26x256xi32, #tpu.memory_space<vmem>>, vector<1x16xi32>,
      %get3A_171 = vector.shape_cast %get3A_170 : vector<1x16xi32> to vector<16xi32>
      %mul3A_172 = arith.constant 256 : i32
      %mul3A_173 = arith.muli %scan3A_37, %mul3A_172 : i32
      %add3A_174 = arith.constant 176 : i32
      %add3A_175 = arith.addi %mul3A_173, %add3A_174 : i32
      %swap3A_176 = arith.index_cast %add3A_175 : i32 to index
      %swap3A_177 = tpu.vector_load %arg7[%swap3A_176] {strides = array<i32>} : memref<6656xi32, #tpu.memory_space<vmem>>, vector<16xi32>,
      %swap3A_178 = vector.shape_cast %swap3A_177 : vector<16xi32> to vector<16xi32>
      %swap3A_179 = vector.shape_cast %get3A_171 : vector<16xi32> to vector<16xi32>
      tpu.vector_store %arg7[%swap3A_176], %swap3A_179 {strides = array<i32>} : memref<6656xi32, #tpu.memory_space<vmem>>, vector<16xi32>,
      %get3A_180 = arith.index_cast %scan3A_37 : i32 to index
      %get3A_181 = arith.constant 192 : index
      %get3A_182 = tpu.vector_load %arg5[%get3A_180, %get3A_181] {strides = array<i32>} : memref<26x256xi32, #tpu.memory_space<vmem>>, vector<1x16xi32>,
      %get3A_183 = vector.shape_cast %get3A_182 : vector<1x16xi32> to vector<16xi32>
      %mul3A_184 = arith.constant 256 : i32
      %mul3A_185 = arith.muli %scan3A_37, %mul3A_184 : i32
      %add3A_186 = arith.constant 192 : i32
      %add3A_187 = arith.addi %mul3A_185, %add3A_186 : i32
      %swap3A_188 = arith.index_cast %add3A_187 : i32 to index
      %swap3A_189 = tpu.vector_load %arg7[%swap3A_188] {strides = array<i32>} : memref<6656xi32, #tpu.memory_space<vmem>>, vector<16xi32>,
      %swap3A_190 = vector.shape_cast %swap3A_189 : vector<16xi32> to vector<16xi32>
      %swap3A_191 = vector.shape_cast %get3A_183 : vector<16xi32> to vector<16xi32>
      tpu.vector_store %arg7[%swap3A_188], %swap3A_191 {strides = array<i32>} : memref<6656xi32, #tpu.memory_space<vmem>>, vector<16xi32>,
      %get3A_192 = arith.index_cast %scan3A_37 : i32 to index
      %get3A_193 = arith.constant 208 : index
      %get3A_194 = tpu.vector_load %arg5[%get3A_192, %get3A_193] {strides = array<i32>} : memref<26x256xi32, #tpu.memory_space<vmem>>, vector<1x16xi32>,
      %get3A_195 = vector.shape_cast %get3A_194 : vector<1x16xi32> to vector<16xi32>
      %mul3A_196 = arith.constant 256 : i32
      %mul3A_197 = arith.muli %scan3A_37, %mul3A_196 : i32
      %add3A_198 = arith.constant 208 : i32
      %add3A_199 = arith.addi %mul3A_197, %add3A_198 : i32
      %swap3A_200 = arith.index_cast %add3A_199 : i32 to index
      %swap3A_201 = tpu.vector_load %arg7[%swap3A_200] {strides = array<i32>} : memref<6656xi32, #tpu.memory_space<vmem>>, vector<16xi32>,
      %swap3A_202 = vector.shape_cast %swap3A_201 : vector<16xi32> to vector<16xi32>
      %swap3A_203 = vector.shape_cast %get3A_195 : vector<16xi32> to vector<16xi32>
      tpu.vector_store %arg7[%swap3A_200], %swap3A_203 {strides = array<i32>} : memref<6656xi32, #tpu.memory_space<vmem>>, vector<16xi32>,
      %get3A_204 = arith.index_cast %scan3A_37 : i32 to index
      %get3A_205 = arith.constant 224 : index
      %get3A_206 = tpu.vector_load %arg5[%get3A_204, %get3A_205] {strides = array<i32>} : memref<26x256xi32, #tpu.memory_space<vmem>>, vector<1x16xi32>,
      %get3A_207 = vector.shape_cast %get3A_206 : vector<1x16xi32> to vector<16xi32>
      %mul3A_208 = arith.constant 256 : i32
      %mul3A_209 = arith.muli %scan3A_37, %mul3A_208 : i32
      %add3A_210 = arith.constant 224 : i32
      %add3A_211 = arith.addi %mul3A_209, %add3A_210 : i32
      %swap3A_212 = arith.index_cast %add3A_211 : i32 to index
      %swap3A_213 = tpu.vector_load %arg7[%swap3A_212] {strides = array<i32>} : memref<6656xi32, #tpu.memory_space<vmem>>, vector<16xi32>,
      %swap3A_214 = vector.shape_cast %swap3A_213 : vector<16xi32> to vector<16xi32>
      %swap3A_215 = vector.shape_cast %get3A_207 : vector<16xi32> to vector<16xi32>
      tpu.vector_store %arg7[%swap3A_212], %swap3A_215 {strides = array<i32>} : memref<6656xi32, #tpu.memory_space<vmem>>, vector<16xi32>,
      %get3A_216 = arith.index_cast %scan3A_37 : i32 to index
      %get3A_217 = arith.constant 240 : index
      %get3A_218 = tpu.vector_load %arg5[%get3A_216, %get3A_217] {strides = array<i32>} : memref<26x256xi32, #tpu.memory_space<vmem>>, vector<1x16xi32>,
      %get3A_219 = vector.shape_cast %get3A_218 : vector<1x16xi32> to vector<16xi32>
      %mul3A_220 = arith.constant 256 : i32
      %mul3A_221 = arith.muli %scan3A_37, %mul3A_220 : i32
      %add3A_222 = arith.constant 240 : i32
      %add3A_223 = arith.addi %mul3A_221, %add3A_222 : i32
      %swap3A_224 = arith.index_cast %add3A_223 : i32 to index
      %swap3A_225 = tpu.vector_load %arg7[%swap3A_224] {strides = array<i32>} : memref<6656xi32, #tpu.memory_space<vmem>>, vector<16xi32>,
      %swap3A_226 = vector.shape_cast %swap3A_225 : vector<16xi32> to vector<16xi32>
      %swap3A_227 = vector.shape_cast %get3A_219 : vector<16xi32> to vector<16xi32>
      tpu.vector_store %arg7[%swap3A_224], %swap3A_227 {strides = array<i32>} : memref<6656xi32, #tpu.memory_space<vmem>>, vector<16xi32>,
    }
    %scan3A_15 = arith.constant 26 : i32
    %semaphore_wait3A = arith.constant 1 : i32
    %semaphore_wait3A_16 = arith.constant true
    tpu.sem_wait %arg14, %semaphore_wait3A : memref<!tpu.semaphore, #tpu.memory_space<semaphore_mem>>
    %dma_start3A = arith.constant 0 : i32
    %dma_start3A_17 = tpu.memref_slice %arg11[%dma_start3A] : memref<1000000xf32, #tpu.memory_space<vmem_shared>> -> memref<1000000xf32, #tpu.memory_space<vmem_shared>>
    tpu.enqueue_indirect_dma source(%dma_start3A_17 : memref<1000000xf32, #tpu.memory_space<vmem_shared>>) target(%arg8 : memref<6656xf32, #tpu.memory_space<vmem>>) offsets(%arg6 : memref<6656xi32, #tpu.memory_space<vmem>>) semaphore(%arg12 : memref<!tpu.dma_semaphore, #tpu.memory_space<semaphore_mem>>)
    %dma_start3A_18 = arith.constant 0 : i32
    %dma_start3A_19 = tpu.memref_slice %arg11[%dma_start3A_18] : memref<1000000xf32, #tpu.memory_space<vmem_shared>> -> memref<1000000xf32, #tpu.memory_space<vmem_shared>>
    tpu.enqueue_indirect_dma source(%dma_start3A_19 : memref<1000000xf32, #tpu.memory_space<vmem_shared>>) target(%arg9 : memref<6656xf32, #tpu.memory_space<vmem>>) offsets(%arg7 : memref<6656xi32, #tpu.memory_space<vmem>>) semaphore(%arg13 : memref<!tpu.dma_semaphore, #tpu.memory_space<semaphore_mem>>)
    %dma_wait3A = arith.constant 0 : i32
    %dma_wait3A_20 = tpu.memref_slice %arg11[%dma_wait3A] : memref<1000000xf32, #tpu.memory_space<vmem_shared>> -> memref<1000000xf32, #tpu.memory_space<vmem_shared>>
    tpu.wait_indirect_dma semaphore(%arg12 : memref<!tpu.dma_semaphore, #tpu.memory_space<semaphore_mem>>) src(%dma_wait3A_20 : memref<1000000xf32, #tpu.memory_space<vmem_shared>>) dst(%arg8 : memref<6656xf32, #tpu.memory_space<vmem>>)
    %scan3A_21 = arith.constant 0 : i32
    %scan3A_22 = arith.constant 26 : i32
    %scan3A_23 = arith.addi %scan3A_21, %scan3A_22 : i32
    %scan3A_24 = arith.constant 1 : i32
    scf.for %scan3A_37 = %scan3A_21 to %scan3A_23 step %scan3A_24  : i32 {
      %mul3A_38 = arith.constant 256 : i32
      %mul3A_39 = arith.muli %scan3A_37, %mul3A_38 : i32
      %add3A_40 = arith.constant 0 : i32
      %add3A_41 = arith.addi %mul3A_39, %add3A_40 : i32
      %get3A = arith.index_cast %add3A_41 : i32 to index
      %get3A_42 = tpu.vector_load %arg8[%get3A] {strides = array<i32>} : memref<6656xf32, #tpu.memory_space<vmem>>, vector<16xf32>,
      %get3A_43 = vector.shape_cast %get3A_42 : vector<16xf32> to vector<16xf32>
      %swap3A = arith.index_cast %scan3A_37 : i32 to index
      %swap3A_44 = arith.constant 0 : index
      %swap3A_45 = tpu.vector_load %arg10[%swap3A, %swap3A_44] {strides = array<i32>} : memref<26x256xf32, #tpu.memory_space<vmem>>, vector<1x16xf32>,
      %swap3A_46 = vector.shape_cast %swap3A_45 : vector<1x16xf32> to vector<16xf32>
      %swap3A_47 = vector.shape_cast %get3A_43 : vector<16xf32> to vector<1x16xf32>
      tpu.vector_store %arg10[%swap3A, %swap3A_44], %swap3A_47 {strides = array<i32>} : memref<26x256xf32, #tpu.memory_space<vmem>>, vector<1x16xf32>,
      %mul3A_48 = arith.constant 256 : i32
      %mul3A_49 = arith.muli %scan3A_37, %mul3A_48 : i32
      %add3A_50 = arith.constant 16 : i32
      %add3A_51 = arith.addi %mul3A_49, %add3A_50 : i32
      %get3A_52 = arith.index_cast %add3A_51 : i32 to index
      %get3A_53 = tpu.vector_load %arg8[%get3A_52] {strides = array<i32>} : memref<6656xf32, #tpu.memory_space<vmem>>, vector<16xf32>,
      %get3A_54 = vector.shape_cast %get3A_53 : vector<16xf32> to vector<16xf32>
      %swap3A_55 = arith.index_cast %scan3A_37 : i32 to index
      %swap3A_56 = arith.constant 16 : index
      %swap3A_57 = tpu.vector_load %arg10[%swap3A_55, %swap3A_56] {strides = array<i32>} : memref<26x256xf32, #tpu.memory_space<vmem>>, vector<1x16xf32>,
      %swap3A_58 = vector.shape_cast %swap3A_57 : vector<1x16xf32> to vector<16xf32>
      %swap3A_59 = vector.shape_cast %get3A_54 : vector<16xf32> to vector<1x16xf32>
      tpu.vector_store %arg10[%swap3A_55, %swap3A_56], %swap3A_59 {strides = array<i32>} : memref<26x256xf32, #tpu.memory_space<vmem>>, vector<1x16xf32>,
      %mul3A_60 = arith.constant 256 : i32
      %mul3A_61 = arith.muli %scan3A_37, %mul3A_60 : i32
      %add3A_62 = arith.constant 32 : i32
      %add3A_63 = arith.addi %mul3A_61, %add3A_62 : i32
      %get3A_64 = arith.index_cast %add3A_63 : i32 to index
      %get3A_65 = tpu.vector_load %arg8[%get3A_64] {strides = array<i32>} : memref<6656xf32, #tpu.memory_space<vmem>>, vector<16xf32>,
      %get3A_66 = vector.shape_cast %get3A_65 : vector<16xf32> to vector<16xf32>
      %swap3A_67 = arith.index_cast %scan3A_37 : i32 to index
      %swap3A_68 = arith.constant 32 : index
      %swap3A_69 = tpu.vector_load %arg10[%swap3A_67, %swap3A_68] {strides = array<i32>} : memref<26x256xf32, #tpu.memory_space<vmem>>, vector<1x16xf32>,
      %swap3A_70 = vector.shape_cast %swap3A_69 : vector<1x16xf32> to vector<16xf32>
      %swap3A_71 = vector.shape_cast %get3A_66 : vector<16xf32> to vector<1x16xf32>
      tpu.vector_store %arg10[%swap3A_67, %swap3A_68], %swap3A_71 {strides = array<i32>} : memref<26x256xf32, #tpu.memory_space<vmem>>, vector<1x16xf32>,
      %mul3A_72 = arith.constant 256 : i32
      %mul3A_73 = arith.muli %scan3A_37, %mul3A_72 : i32
      %add3A_74 = arith.constant 48 : i32
      %add3A_75 = arith.addi %mul3A_73, %add3A_74 : i32
      %get3A_76 = arith.index_cast %add3A_75 : i32 to index
      %get3A_77 = tpu.vector_load %arg8[%get3A_76] {strides = array<i32>} : memref<6656xf32, #tpu.memory_space<vmem>>, vector<16xf32>,
      %get3A_78 = vector.shape_cast %get3A_77 : vector<16xf32> to vector<16xf32>
      %swap3A_79 = arith.index_cast %scan3A_37 : i32 to index
      %swap3A_80 = arith.constant 48 : index
      %swap3A_81 = tpu.vector_load %arg10[%swap3A_79, %swap3A_80] {strides = array<i32>} : memref<26x256xf32, #tpu.memory_space<vmem>>, vector<1x16xf32>,
      %swap3A_82 = vector.shape_cast %swap3A_81 : vector<1x16xf32> to vector<16xf32>
      %swap3A_83 = vector.shape_cast %get3A_78 : vector<16xf32> to vector<1x16xf32>
      tpu.vector_store %arg10[%swap3A_79, %swap3A_80], %swap3A_83 {strides = array<i32>} : memref<26x256xf32, #tpu.memory_space<vmem>>, vector<1x16xf32>,
      %mul3A_84 = arith.constant 256 : i32
      %mul3A_85 = arith.muli %scan3A_37, %mul3A_84 : i32
      %add3A_86 = arith.constant 64 : i32
      %add3A_87 = arith.addi %mul3A_85, %add3A_86 : i32
      %get3A_88 = arith.index_cast %add3A_87 : i32 to index
      %get3A_89 = tpu.vector_load %arg8[%get3A_88] {strides = array<i32>} : memref<6656xf32, #tpu.memory_space<vmem>>, vector<16xf32>,
      %get3A_90 = vector.shape_cast %get3A_89 : vector<16xf32> to vector<16xf32>
      %swap3A_91 = arith.index_cast %scan3A_37 : i32 to index
      %swap3A_92 = arith.constant 64 : index
      %swap3A_93 = tpu.vector_load %arg10[%swap3A_91, %swap3A_92] {strides = array<i32>} : memref<26x256xf32, #tpu.memory_space<vmem>>, vector<1x16xf32>,
      %swap3A_94 = vector.shape_cast %swap3A_93 : vector<1x16xf32> to vector<16xf32>
      %swap3A_95 = vector.shape_cast %get3A_90 : vector<16xf32> to vector<1x16xf32>
      tpu.vector_store %arg10[%swap3A_91, %swap3A_92], %swap3A_95 {strides = array<i32>} : memref<26x256xf32, #tpu.memory_space<vmem>>, vector<1x16xf32>,
      %mul3A_96 = arith.constant 256 : i32
      %mul3A_97 = arith.muli %scan3A_37, %mul3A_96 : i32
      %add3A_98 = arith.constant 80 : i32
      %add3A_99 = arith.addi %mul3A_97, %add3A_98 : i32
      %get3A_100 = arith.index_cast %add3A_99 : i32 to index
      %get3A_101 = tpu.vector_load %arg8[%get3A_100] {strides = array<i32>} : memref<6656xf32, #tpu.memory_space<vmem>>, vector<16xf32>,
      %get3A_102 = vector.shape_cast %get3A_101 : vector<16xf32> to vector<16xf32>
      %swap3A_103 = arith.index_cast %scan3A_37 : i32 to index
      %swap3A_104 = arith.constant 80 : index
      %swap3A_105 = tpu.vector_load %arg10[%swap3A_103, %swap3A_104] {strides = array<i32>} : memref<26x256xf32, #tpu.memory_space<vmem>>, vector<1x16xf32>,
      %swap3A_106 = vector.shape_cast %swap3A_105 : vector<1x16xf32> to vector<16xf32>
      %swap3A_107 = vector.shape_cast %get3A_102 : vector<16xf32> to vector<1x16xf32>
      tpu.vector_store %arg10[%swap3A_103, %swap3A_104], %swap3A_107 {strides = array<i32>} : memref<26x256xf32, #tpu.memory_space<vmem>>, vector<1x16xf32>,
      %mul3A_108 = arith.constant 256 : i32
      %mul3A_109 = arith.muli %scan3A_37, %mul3A_108 : i32
      %add3A_110 = arith.constant 96 : i32
      %add3A_111 = arith.addi %mul3A_109, %add3A_110 : i32
      %get3A_112 = arith.index_cast %add3A_111 : i32 to index
      %get3A_113 = tpu.vector_load %arg8[%get3A_112] {strides = array<i32>} : memref<6656xf32, #tpu.memory_space<vmem>>, vector<16xf32>,
      %get3A_114 = vector.shape_cast %get3A_113 : vector<16xf32> to vector<16xf32>
      %swap3A_115 = arith.index_cast %scan3A_37 : i32 to index
      %swap3A_116 = arith.constant 96 : index
      %swap3A_117 = tpu.vector_load %arg10[%swap3A_115, %swap3A_116] {strides = array<i32>} : memref<26x256xf32, #tpu.memory_space<vmem>>, vector<1x16xf32>,
      %swap3A_118 = vector.shape_cast %swap3A_117 : vector<1x16xf32> to vector<16xf32>
      %swap3A_119 = vector.shape_cast %get3A_114 : vector<16xf32> to vector<1x16xf32>
      tpu.vector_store %arg10[%swap3A_115, %swap3A_116], %swap3A_119 {strides = array<i32>} : memref<26x256xf32, #tpu.memory_space<vmem>>, vector<1x16xf32>,
      %mul3A_120 = arith.constant 256 : i32
      %mul3A_121 = arith.muli %scan3A_37, %mul3A_120 : i32
      %add3A_122 = arith.constant 112 : i32
      %add3A_123 = arith.addi %mul3A_121, %add3A_122 : i32
      %get3A_124 = arith.index_cast %add3A_123 : i32 to index
      %get3A_125 = tpu.vector_load %arg8[%get3A_124] {strides = array<i32>} : memref<6656xf32, #tpu.memory_space<vmem>>, vector<16xf32>,
      %get3A_126 = vector.shape_cast %get3A_125 : vector<16xf32> to vector<16xf32>
      %swap3A_127 = arith.index_cast %scan3A_37 : i32 to index
      %swap3A_128 = arith.constant 112 : index
      %swap3A_129 = tpu.vector_load %arg10[%swap3A_127, %swap3A_128] {strides = array<i32>} : memref<26x256xf32, #tpu.memory_space<vmem>>, vector<1x16xf32>,
      %swap3A_130 = vector.shape_cast %swap3A_129 : vector<1x16xf32> to vector<16xf32>
      %swap3A_131 = vector.shape_cast %get3A_126 : vector<16xf32> to vector<1x16xf32>
      tpu.vector_store %arg10[%swap3A_127, %swap3A_128], %swap3A_131 {strides = array<i32>} : memref<26x256xf32, #tpu.memory_space<vmem>>, vector<1x16xf32>,
      %mul3A_132 = arith.constant 256 : i32
      %mul3A_133 = arith.muli %scan3A_37, %mul3A_132 : i32
      %add3A_134 = arith.constant 128 : i32
      %add3A_135 = arith.addi %mul3A_133, %add3A_134 : i32
      %get3A_136 = arith.index_cast %add3A_135 : i32 to index
      %get3A_137 = tpu.vector_load %arg8[%get3A_136] {strides = array<i32>} : memref<6656xf32, #tpu.memory_space<vmem>>, vector<16xf32>,
      %get3A_138 = vector.shape_cast %get3A_137 : vector<16xf32> to vector<16xf32>
      %swap3A_139 = arith.index_cast %scan3A_37 : i32 to index
      %swap3A_140 = arith.constant 128 : index
      %swap3A_141 = tpu.vector_load %arg10[%swap3A_139, %swap3A_140] {strides = array<i32>} : memref<26x256xf32, #tpu.memory_space<vmem>>, vector<1x16xf32>,
      %swap3A_142 = vector.shape_cast %swap3A_141 : vector<1x16xf32> to vector<16xf32>
      %swap3A_143 = vector.shape_cast %get3A_138 : vector<16xf32> to vector<1x16xf32>
      tpu.vector_store %arg10[%swap3A_139, %swap3A_140], %swap3A_143 {strides = array<i32>} : memref<26x256xf32, #tpu.memory_space<vmem>>, vector<1x16xf32>,
      %mul3A_144 = arith.constant 256 : i32
      %mul3A_145 = arith.muli %scan3A_37, %mul3A_144 : i32
      %add3A_146 = arith.constant 144 : i32
      %add3A_147 = arith.addi %mul3A_145, %add3A_146 : i32
      %get3A_148 = arith.index_cast %add3A_147 : i32 to index
      %get3A_149 = tpu.vector_load %arg8[%get3A_148] {strides = array<i32>} : memref<6656xf32, #tpu.memory_space<vmem>>, vector<16xf32>,
      %get3A_150 = vector.shape_cast %get3A_149 : vector<16xf32> to vector<16xf32>
      %swap3A_151 = arith.index_cast %scan3A_37 : i32 to index
      %swap3A_152 = arith.constant 144 : index
      %swap3A_153 = tpu.vector_load %arg10[%swap3A_151, %swap3A_152] {strides = array<i32>} : memref<26x256xf32, #tpu.memory_space<vmem>>, vector<1x16xf32>,
      %swap3A_154 = vector.shape_cast %swap3A_153 : vector<1x16xf32> to vector<16xf32>
      %swap3A_155 = vector.shape_cast %get3A_150 : vector<16xf32> to vector<1x16xf32>
      tpu.vector_store %arg10[%swap3A_151, %swap3A_152], %swap3A_155 {strides = array<i32>} : memref<26x256xf32, #tpu.memory_space<vmem>>, vector<1x16xf32>,
      %mul3A_156 = arith.constant 256 : i32
      %mul3A_157 = arith.muli %scan3A_37, %mul3A_156 : i32
      %add3A_158 = arith.constant 160 : i32
      %add3A_159 = arith.addi %mul3A_157, %add3A_158 : i32
      %get3A_160 = arith.index_cast %add3A_159 : i32 to index
      %get3A_161 = tpu.vector_load %arg8[%get3A_160] {strides = array<i32>} : memref<6656xf32, #tpu.memory_space<vmem>>, vector<16xf32>,
      %get3A_162 = vector.shape_cast %get3A_161 : vector<16xf32> to vector<16xf32>
      %swap3A_163 = arith.index_cast %scan3A_37 : i32 to index
      %swap3A_164 = arith.constant 160 : index
      %swap3A_165 = tpu.vector_load %arg10[%swap3A_163, %swap3A_164] {strides = array<i32>} : memref<26x256xf32, #tpu.memory_space<vmem>>, vector<1x16xf32>,
      %swap3A_166 = vector.shape_cast %swap3A_165 : vector<1x16xf32> to vector<16xf32>
      %swap3A_167 = vector.shape_cast %get3A_162 : vector<16xf32> to vector<1x16xf32>
      tpu.vector_store %arg10[%swap3A_163, %swap3A_164], %swap3A_167 {strides = array<i32>} : memref<26x256xf32, #tpu.memory_space<vmem>>, vector<1x16xf32>,
      %mul3A_168 = arith.constant 256 : i32
      %mul3A_169 = arith.muli %scan3A_37, %mul3A_168 : i32
      %add3A_170 = arith.constant 176 : i32
      %add3A_171 = arith.addi %mul3A_169, %add3A_170 : i32
      %get3A_172 = arith.index_cast %add3A_171 : i32 to index
      %get3A_173 = tpu.vector_load %arg8[%get3A_172] {strides = array<i32>} : memref<6656xf32, #tpu.memory_space<vmem>>, vector<16xf32>,
      %get3A_174 = vector.shape_cast %get3A_173 : vector<16xf32> to vector<16xf32>
      %swap3A_175 = arith.index_cast %scan3A_37 : i32 to index
      %swap3A_176 = arith.constant 176 : index
      %swap3A_177 = tpu.vector_load %arg10[%swap3A_175, %swap3A_176] {strides = array<i32>} : memref<26x256xf32, #tpu.memory_space<vmem>>, vector<1x16xf32>,
      %swap3A_178 = vector.shape_cast %swap3A_177 : vector<1x16xf32> to vector<16xf32>
      %swap3A_179 = vector.shape_cast %get3A_174 : vector<16xf32> to vector<1x16xf32>
      tpu.vector_store %arg10[%swap3A_175, %swap3A_176], %swap3A_179 {strides = array<i32>} : memref<26x256xf32, #tpu.memory_space<vmem>>, vector<1x16xf32>,
      %mul3A_180 = arith.constant 256 : i32
      %mul3A_181 = arith.muli %scan3A_37, %mul3A_180 : i32
      %add3A_182 = arith.constant 192 : i32
      %add3A_183 = arith.addi %mul3A_181, %add3A_182 : i32
      %get3A_184 = arith.index_cast %add3A_183 : i32 to index
      %get3A_185 = tpu.vector_load %arg8[%get3A_184] {strides = array<i32>} : memref<6656xf32, #tpu.memory_space<vmem>>, vector<16xf32>,
      %get3A_186 = vector.shape_cast %get3A_185 : vector<16xf32> to vector<16xf32>
      %swap3A_187 = arith.index_cast %scan3A_37 : i32 to index
      %swap3A_188 = arith.constant 192 : index
      %swap3A_189 = tpu.vector_load %arg10[%swap3A_187, %swap3A_188] {strides = array<i32>} : memref<26x256xf32, #tpu.memory_space<vmem>>, vector<1x16xf32>,
      %swap3A_190 = vector.shape_cast %swap3A_189 : vector<1x16xf32> to vector<16xf32>
      %swap3A_191 = vector.shape_cast %get3A_186 : vector<16xf32> to vector<1x16xf32>
      tpu.vector_store %arg10[%swap3A_187, %swap3A_188], %swap3A_191 {strides = array<i32>} : memref<26x256xf32, #tpu.memory_space<vmem>>, vector<1x16xf32>,
      %mul3A_192 = arith.constant 256 : i32
      %mul3A_193 = arith.muli %scan3A_37, %mul3A_192 : i32
      %add3A_194 = arith.constant 208 : i32
      %add3A_195 = arith.addi %mul3A_193, %add3A_194 : i32
      %get3A_196 = arith.index_cast %add3A_195 : i32 to index
      %get3A_197 = tpu.vector_load %arg8[%get3A_196] {strides = array<i32>} : memref<6656xf32, #tpu.memory_space<vmem>>, vector<16xf32>,
      %get3A_198 = vector.shape_cast %get3A_197 : vector<16xf32> to vector<16xf32>
      %swap3A_199 = arith.index_cast %scan3A_37 : i32 to index
      %swap3A_200 = arith.constant 208 : index
      %swap3A_201 = tpu.vector_load %arg10[%swap3A_199, %swap3A_200] {strides = array<i32>} : memref<26x256xf32, #tpu.memory_space<vmem>>, vector<1x16xf32>,
      %swap3A_202 = vector.shape_cast %swap3A_201 : vector<1x16xf32> to vector<16xf32>
      %swap3A_203 = vector.shape_cast %get3A_198 : vector<16xf32> to vector<1x16xf32>
      tpu.vector_store %arg10[%swap3A_199, %swap3A_200], %swap3A_203 {strides = array<i32>} : memref<26x256xf32, #tpu.memory_space<vmem>>, vector<1x16xf32>,
      %mul3A_204 = arith.constant 256 : i32
      %mul3A_205 = arith.muli %scan3A_37, %mul3A_204 : i32
      %add3A_206 = arith.constant 224 : i32
      %add3A_207 = arith.addi %mul3A_205, %add3A_206 : i32
      %get3A_208 = arith.index_cast %add3A_207 : i32 to index
      %get3A_209 = tpu.vector_load %arg8[%get3A_208] {strides = array<i32>} : memref<6656xf32, #tpu.memory_space<vmem>>, vector<16xf32>,
      %get3A_210 = vector.shape_cast %get3A_209 : vector<16xf32> to vector<16xf32>
      %swap3A_211 = arith.index_cast %scan3A_37 : i32 to index
      %swap3A_212 = arith.constant 224 : index
      %swap3A_213 = tpu.vector_load %arg10[%swap3A_211, %swap3A_212] {strides = array<i32>} : memref<26x256xf32, #tpu.memory_space<vmem>>, vector<1x16xf32>,
      %swap3A_214 = vector.shape_cast %swap3A_213 : vector<1x16xf32> to vector<16xf32>
      %swap3A_215 = vector.shape_cast %get3A_210 : vector<16xf32> to vector<1x16xf32>
      tpu.vector_store %arg10[%swap3A_211, %swap3A_212], %swap3A_215 {strides = array<i32>} : memref<26x256xf32, #tpu.memory_space<vmem>>, vector<1x16xf32>,
      %mul3A_216 = arith.constant 256 : i32
      %mul3A_217 = arith.muli %scan3A_37, %mul3A_216 : i32
      %add3A_218 = arith.constant 240 : i32
      %add3A_219 = arith.addi %mul3A_217, %add3A_218 : i32
      %get3A_220 = arith.index_cast %add3A_219 : i32 to index
      %get3A_221 = tpu.vector_load %arg8[%get3A_220] {strides = array<i32>} : memref<6656xf32, #tpu.memory_space<vmem>>, vector<16xf32>,
      %get3A_222 = vector.shape_cast %get3A_221 : vector<16xf32> to vector<16xf32>
      %swap3A_223 = arith.index_cast %scan3A_37 : i32 to index
      %swap3A_224 = arith.constant 240 : index
      %swap3A_225 = tpu.vector_load %arg10[%swap3A_223, %swap3A_224] {strides = array<i32>} : memref<26x256xf32, #tpu.memory_space<vmem>>, vector<1x16xf32>,
      %swap3A_226 = vector.shape_cast %swap3A_225 : vector<1x16xf32> to vector<16xf32>
      %swap3A_227 = vector.shape_cast %get3A_222 : vector<16xf32> to vector<1x16xf32>
      tpu.vector_store %arg10[%swap3A_223, %swap3A_224], %swap3A_227 {strides = array<i32>} : memref<26x256xf32, #tpu.memory_space<vmem>>, vector<1x16xf32>,
    }
    %scan3A_25 = arith.constant 26 : i32
    %add3A_26 = arith.constant 0 : i32
    %add3A_27 = arith.addi %mul3A_2, %add3A_26 : i32
    "tpu.region"() ({
      %run_scoped3A = tpu.sem_alloc : memref<!tpu.dma_semaphore, #tpu.memory_space<semaphore_mem>>
      %dma_start3A_37 = arith.constant 0 : i32
      %dma_start3A_38 = tpu.memref_slice %arg4[%dma_start3A_37, %add3A_27] : memref<26x16384xf32, #tpu.memory_space<hbm>> -> memref<26x256xf32, #tpu.memory_space<hbm>>
      %dma_start3A_39 = arith.constant 0 : i32
      %dma_start3A_40 = tpu.memref_slice %arg4[%dma_start3A_39, %add3A_27] : memref<26x16384xf32, #tpu.memory_space<hbm>> -> memref<26x256xf32, #tpu.memory_space<hbm>>
      tpu.enqueue_dma source(%arg10 : memref<26x256xf32, #tpu.memory_space<vmem>>) target(%dma_start3A_40 : memref<26x256xf32, #tpu.memory_space<hbm>>) target_semaphore(%run_scoped3A : memref<!tpu.dma_semaphore, #tpu.memory_space<semaphore_mem>>)
      %dma_wait3A_41 = arith.constant 0 : i32
      %dma_wait3A_42 = tpu.memref_slice %arg4[%dma_wait3A_41, %add3A_27] : memref<26x16384xf32, #tpu.memory_space<hbm>> -> memref<26x256xf32, #tpu.memory_space<hbm>>
      %dma_wait3A_43 = arith.constant 0 : i32
      %dma_wait3A_44 = tpu.memref_slice %arg4[%dma_wait3A_43, %add3A_27] : memref<26x16384xf32, #tpu.memory_space<hbm>> -> memref<26x256xf32, #tpu.memory_space<hbm>>
      tpu.wait_dma2 semaphore(%run_scoped3A : memref<!tpu.dma_semaphore, #tpu.memory_space<semaphore_mem>>) src(%arg10 : memref<26x256xf32, #tpu.memory_space<vmem>>) dst(%dma_wait3A_44 : memref<26x256xf32, #tpu.memory_space<hbm>>)
      tpu.yield
    }) : () -> ()
    %dma_wait3A_28 = arith.constant 0 : i32
    %dma_wait3A_29 = tpu.memref_slice %arg11[%dma_wait3A_28] : memref<1000000xf32, #tpu.memory_space<vmem_shared>> -> memref<1000000xf32, #tpu.memory_space<vmem_shared>>
    tpu.wait_indirect_dma semaphore(%arg13 : memref<!tpu.dma_semaphore, #tpu.memory_space<semaphore_mem>>) src(%dma_wait3A_29 : memref<1000000xf32, #tpu.memory_space<vmem_shared>>) dst(%arg9 : memref<6656xf32, #tpu.memory_space<vmem>>)
    %scan3A_30 = arith.constant 0 : i32
    %scan3A_31 = arith.constant 26 : i32
    %scan3A_32 = arith.addi %scan3A_30, %scan3A_31 : i32
    %scan3A_33 = arith.constant 1 : i32
    scf.for %scan3A_37 = %scan3A_30 to %scan3A_32 step %scan3A_33  : i32 {
      %mul3A_38 = arith.constant 256 : i32
      %mul3A_39 = arith.muli %scan3A_37, %mul3A_38 : i32
      %add3A_40 = arith.constant 0 : i32
      %add3A_41 = arith.addi %mul3A_39, %add3A_40 : i32
      %get3A = arith.index_cast %add3A_41 : i32 to index
      %get3A_42 = tpu.vector_load %arg9[%get3A] {strides = array<i32>} : memref<6656xf32, #tpu.memory_space<vmem>>, vector<16xf32>,
      %get3A_43 = vector.shape_cast %get3A_42 : vector<16xf32> to vector<16xf32>
      %swap3A = arith.index_cast %scan3A_37 : i32 to index
      %swap3A_44 = arith.constant 0 : index
      %swap3A_45 = tpu.vector_load %arg10[%swap3A, %swap3A_44] {strides = array<i32>} : memref<26x256xf32, #tpu.memory_space<vmem>>, vector<1x16xf32>,
      %swap3A_46 = vector.shape_cast %swap3A_45 : vector<1x16xf32> to vector<16xf32>
      %swap3A_47 = vector.shape_cast %get3A_43 : vector<16xf32> to vector<1x16xf32>
      tpu.vector_store %arg10[%swap3A, %swap3A_44], %swap3A_47 {strides = array<i32>} : memref<26x256xf32, #tpu.memory_space<vmem>>, vector<1x16xf32>,
      %mul3A_48 = arith.constant 256 : i32
      %mul3A_49 = arith.muli %scan3A_37, %mul3A_48 : i32
      %add3A_50 = arith.constant 16 : i32
      %add3A_51 = arith.addi %mul3A_49, %add3A_50 : i32
      %get3A_52 = arith.index_cast %add3A_51 : i32 to index
      %get3A_53 = tpu.vector_load %arg9[%get3A_52] {strides = array<i32>} : memref<6656xf32, #tpu.memory_space<vmem>>, vector<16xf32>,
      %get3A_54 = vector.shape_cast %get3A_53 : vector<16xf32> to vector<16xf32>
      %swap3A_55 = arith.index_cast %scan3A_37 : i32 to index
      %swap3A_56 = arith.constant 16 : index
      %swap3A_57 = tpu.vector_load %arg10[%swap3A_55, %swap3A_56] {strides = array<i32>} : memref<26x256xf32, #tpu.memory_space<vmem>>, vector<1x16xf32>,
      %swap3A_58 = vector.shape_cast %swap3A_57 : vector<1x16xf32> to vector<16xf32>
      %swap3A_59 = vector.shape_cast %get3A_54 : vector<16xf32> to vector<1x16xf32>
      tpu.vector_store %arg10[%swap3A_55, %swap3A_56], %swap3A_59 {strides = array<i32>} : memref<26x256xf32, #tpu.memory_space<vmem>>, vector<1x16xf32>,
      %mul3A_60 = arith.constant 256 : i32
      %mul3A_61 = arith.muli %scan3A_37, %mul3A_60 : i32
      %add3A_62 = arith.constant 32 : i32
      %add3A_63 = arith.addi %mul3A_61, %add3A_62 : i32
      %get3A_64 = arith.index_cast %add3A_63 : i32 to index
      %get3A_65 = tpu.vector_load %arg9[%get3A_64] {strides = array<i32>} : memref<6656xf32, #tpu.memory_space<vmem>>, vector<16xf32>,
      %get3A_66 = vector.shape_cast %get3A_65 : vector<16xf32> to vector<16xf32>
      %swap3A_67 = arith.index_cast %scan3A_37 : i32 to index
      %swap3A_68 = arith.constant 32 : index
      %swap3A_69 = tpu.vector_load %arg10[%swap3A_67, %swap3A_68] {strides = array<i32>} : memref<26x256xf32, #tpu.memory_space<vmem>>, vector<1x16xf32>,
      %swap3A_70 = vector.shape_cast %swap3A_69 : vector<1x16xf32> to vector<16xf32>
      %swap3A_71 = vector.shape_cast %get3A_66 : vector<16xf32> to vector<1x16xf32>
      tpu.vector_store %arg10[%swap3A_67, %swap3A_68], %swap3A_71 {strides = array<i32>} : memref<26x256xf32, #tpu.memory_space<vmem>>, vector<1x16xf32>,
      %mul3A_72 = arith.constant 256 : i32
      %mul3A_73 = arith.muli %scan3A_37, %mul3A_72 : i32
      %add3A_74 = arith.constant 48 : i32
      %add3A_75 = arith.addi %mul3A_73, %add3A_74 : i32
      %get3A_76 = arith.index_cast %add3A_75 : i32 to index
      %get3A_77 = tpu.vector_load %arg9[%get3A_76] {strides = array<i32>} : memref<6656xf32, #tpu.memory_space<vmem>>, vector<16xf32>,
      %get3A_78 = vector.shape_cast %get3A_77 : vector<16xf32> to vector<16xf32>
      %swap3A_79 = arith.index_cast %scan3A_37 : i32 to index
      %swap3A_80 = arith.constant 48 : index
      %swap3A_81 = tpu.vector_load %arg10[%swap3A_79, %swap3A_80] {strides = array<i32>} : memref<26x256xf32, #tpu.memory_space<vmem>>, vector<1x16xf32>,
      %swap3A_82 = vector.shape_cast %swap3A_81 : vector<1x16xf32> to vector<16xf32>
      %swap3A_83 = vector.shape_cast %get3A_78 : vector<16xf32> to vector<1x16xf32>
      tpu.vector_store %arg10[%swap3A_79, %swap3A_80], %swap3A_83 {strides = array<i32>} : memref<26x256xf32, #tpu.memory_space<vmem>>, vector<1x16xf32>,
      %mul3A_84 = arith.constant 256 : i32
      %mul3A_85 = arith.muli %scan3A_37, %mul3A_84 : i32
      %add3A_86 = arith.constant 64 : i32
      %add3A_87 = arith.addi %mul3A_85, %add3A_86 : i32
      %get3A_88 = arith.index_cast %add3A_87 : i32 to index
      %get3A_89 = tpu.vector_load %arg9[%get3A_88] {strides = array<i32>} : memref<6656xf32, #tpu.memory_space<vmem>>, vector<16xf32>,
      %get3A_90 = vector.shape_cast %get3A_89 : vector<16xf32> to vector<16xf32>
      %swap3A_91 = arith.index_cast %scan3A_37 : i32 to index
      %swap3A_92 = arith.constant 64 : index
      %swap3A_93 = tpu.vector_load %arg10[%swap3A_91, %swap3A_92] {strides = array<i32>} : memref<26x256xf32, #tpu.memory_space<vmem>>, vector<1x16xf32>,
      %swap3A_94 = vector.shape_cast %swap3A_93 : vector<1x16xf32> to vector<16xf32>
      %swap3A_95 = vector.shape_cast %get3A_90 : vector<16xf32> to vector<1x16xf32>
      tpu.vector_store %arg10[%swap3A_91, %swap3A_92], %swap3A_95 {strides = array<i32>} : memref<26x256xf32, #tpu.memory_space<vmem>>, vector<1x16xf32>,
      %mul3A_96 = arith.constant 256 : i32
      %mul3A_97 = arith.muli %scan3A_37, %mul3A_96 : i32
      %add3A_98 = arith.constant 80 : i32
      %add3A_99 = arith.addi %mul3A_97, %add3A_98 : i32
      %get3A_100 = arith.index_cast %add3A_99 : i32 to index
      %get3A_101 = tpu.vector_load %arg9[%get3A_100] {strides = array<i32>} : memref<6656xf32, #tpu.memory_space<vmem>>, vector<16xf32>,
      %get3A_102 = vector.shape_cast %get3A_101 : vector<16xf32> to vector<16xf32>
      %swap3A_103 = arith.index_cast %scan3A_37 : i32 to index
      %swap3A_104 = arith.constant 80 : index
      %swap3A_105 = tpu.vector_load %arg10[%swap3A_103, %swap3A_104] {strides = array<i32>} : memref<26x256xf32, #tpu.memory_space<vmem>>, vector<1x16xf32>,
      %swap3A_106 = vector.shape_cast %swap3A_105 : vector<1x16xf32> to vector<16xf32>
      %swap3A_107 = vector.shape_cast %get3A_102 : vector<16xf32> to vector<1x16xf32>
      tpu.vector_store %arg10[%swap3A_103, %swap3A_104], %swap3A_107 {strides = array<i32>} : memref<26x256xf32, #tpu.memory_space<vmem>>, vector<1x16xf32>,
      %mul3A_108 = arith.constant 256 : i32
      %mul3A_109 = arith.muli %scan3A_37, %mul3A_108 : i32
      %add3A_110 = arith.constant 96 : i32
      %add3A_111 = arith.addi %mul3A_109, %add3A_110 : i32
      %get3A_112 = arith.index_cast %add3A_111 : i32 to index
      %get3A_113 = tpu.vector_load %arg9[%get3A_112] {strides = array<i32>} : memref<6656xf32, #tpu.memory_space<vmem>>, vector<16xf32>,
      %get3A_114 = vector.shape_cast %get3A_113 : vector<16xf32> to vector<16xf32>
      %swap3A_115 = arith.index_cast %scan3A_37 : i32 to index
      %swap3A_116 = arith.constant 96 : index
      %swap3A_117 = tpu.vector_load %arg10[%swap3A_115, %swap3A_116] {strides = array<i32>} : memref<26x256xf32, #tpu.memory_space<vmem>>, vector<1x16xf32>,
      %swap3A_118 = vector.shape_cast %swap3A_117 : vector<1x16xf32> to vector<16xf32>
      %swap3A_119 = vector.shape_cast %get3A_114 : vector<16xf32> to vector<1x16xf32>
      tpu.vector_store %arg10[%swap3A_115, %swap3A_116], %swap3A_119 {strides = array<i32>} : memref<26x256xf32, #tpu.memory_space<vmem>>, vector<1x16xf32>,
      %mul3A_120 = arith.constant 256 : i32
      %mul3A_121 = arith.muli %scan3A_37, %mul3A_120 : i32
      %add3A_122 = arith.constant 112 : i32
      %add3A_123 = arith.addi %mul3A_121, %add3A_122 : i32
      %get3A_124 = arith.index_cast %add3A_123 : i32 to index
      %get3A_125 = tpu.vector_load %arg9[%get3A_124] {strides = array<i32>} : memref<6656xf32, #tpu.memory_space<vmem>>, vector<16xf32>,
      %get3A_126 = vector.shape_cast %get3A_125 : vector<16xf32> to vector<16xf32>
      %swap3A_127 = arith.index_cast %scan3A_37 : i32 to index
      %swap3A_128 = arith.constant 112 : index
      %swap3A_129 = tpu.vector_load %arg10[%swap3A_127, %swap3A_128] {strides = array<i32>} : memref<26x256xf32, #tpu.memory_space<vmem>>, vector<1x16xf32>,
      %swap3A_130 = vector.shape_cast %swap3A_129 : vector<1x16xf32> to vector<16xf32>
      %swap3A_131 = vector.shape_cast %get3A_126 : vector<16xf32> to vector<1x16xf32>
      tpu.vector_store %arg10[%swap3A_127, %swap3A_128], %swap3A_131 {strides = array<i32>} : memref<26x256xf32, #tpu.memory_space<vmem>>, vector<1x16xf32>,
      %mul3A_132 = arith.constant 256 : i32
      %mul3A_133 = arith.muli %scan3A_37, %mul3A_132 : i32
      %add3A_134 = arith.constant 128 : i32
      %add3A_135 = arith.addi %mul3A_133, %add3A_134 : i32
      %get3A_136 = arith.index_cast %add3A_135 : i32 to index
      %get3A_137 = tpu.vector_load %arg9[%get3A_136] {strides = array<i32>} : memref<6656xf32, #tpu.memory_space<vmem>>, vector<16xf32>,
      %get3A_138 = vector.shape_cast %get3A_137 : vector<16xf32> to vector<16xf32>
      %swap3A_139 = arith.index_cast %scan3A_37 : i32 to index
      %swap3A_140 = arith.constant 128 : index
      %swap3A_141 = tpu.vector_load %arg10[%swap3A_139, %swap3A_140] {strides = array<i32>} : memref<26x256xf32, #tpu.memory_space<vmem>>, vector<1x16xf32>,
      %swap3A_142 = vector.shape_cast %swap3A_141 : vector<1x16xf32> to vector<16xf32>
      %swap3A_143 = vector.shape_cast %get3A_138 : vector<16xf32> to vector<1x16xf32>
      tpu.vector_store %arg10[%swap3A_139, %swap3A_140], %swap3A_143 {strides = array<i32>} : memref<26x256xf32, #tpu.memory_space<vmem>>, vector<1x16xf32>,
      %mul3A_144 = arith.constant 256 : i32
      %mul3A_145 = arith.muli %scan3A_37, %mul3A_144 : i32
      %add3A_146 = arith.constant 144 : i32
      %add3A_147 = arith.addi %mul3A_145, %add3A_146 : i32
      %get3A_148 = arith.index_cast %add3A_147 : i32 to index
      %get3A_149 = tpu.vector_load %arg9[%get3A_148] {strides = array<i32>} : memref<6656xf32, #tpu.memory_space<vmem>>, vector<16xf32>,
      %get3A_150 = vector.shape_cast %get3A_149 : vector<16xf32> to vector<16xf32>
      %swap3A_151 = arith.index_cast %scan3A_37 : i32 to index
      %swap3A_152 = arith.constant 144 : index
      %swap3A_153 = tpu.vector_load %arg10[%swap3A_151, %swap3A_152] {strides = array<i32>} : memref<26x256xf32, #tpu.memory_space<vmem>>, vector<1x16xf32>,
      %swap3A_154 = vector.shape_cast %swap3A_153 : vector<1x16xf32> to vector<16xf32>
      %swap3A_155 = vector.shape_cast %get3A_150 : vector<16xf32> to vector<1x16xf32>
      tpu.vector_store %arg10[%swap3A_151, %swap3A_152], %swap3A_155 {strides = array<i32>} : memref<26x256xf32, #tpu.memory_space<vmem>>, vector<1x16xf32>,
      %mul3A_156 = arith.constant 256 : i32
      %mul3A_157 = arith.muli %scan3A_37, %mul3A_156 : i32
      %add3A_158 = arith.constant 160 : i32
      %add3A_159 = arith.addi %mul3A_157, %add3A_158 : i32
      %get3A_160 = arith.index_cast %add3A_159 : i32 to index
      %get3A_161 = tpu.vector_load %arg9[%get3A_160] {strides = array<i32>} : memref<6656xf32, #tpu.memory_space<vmem>>, vector<16xf32>,
      %get3A_162 = vector.shape_cast %get3A_161 : vector<16xf32> to vector<16xf32>
      %swap3A_163 = arith.index_cast %scan3A_37 : i32 to index
      %swap3A_164 = arith.constant 160 : index
      %swap3A_165 = tpu.vector_load %arg10[%swap3A_163, %swap3A_164] {strides = array<i32>} : memref<26x256xf32, #tpu.memory_space<vmem>>, vector<1x16xf32>,
      %swap3A_166 = vector.shape_cast %swap3A_165 : vector<1x16xf32> to vector<16xf32>
      %swap3A_167 = vector.shape_cast %get3A_162 : vector<16xf32> to vector<1x16xf32>
      tpu.vector_store %arg10[%swap3A_163, %swap3A_164], %swap3A_167 {strides = array<i32>} : memref<26x256xf32, #tpu.memory_space<vmem>>, vector<1x16xf32>,
      %mul3A_168 = arith.constant 256 : i32
      %mul3A_169 = arith.muli %scan3A_37, %mul3A_168 : i32
      %add3A_170 = arith.constant 176 : i32
      %add3A_171 = arith.addi %mul3A_169, %add3A_170 : i32
      %get3A_172 = arith.index_cast %add3A_171 : i32 to index
      %get3A_173 = tpu.vector_load %arg9[%get3A_172] {strides = array<i32>} : memref<6656xf32, #tpu.memory_space<vmem>>, vector<16xf32>,
      %get3A_174 = vector.shape_cast %get3A_173 : vector<16xf32> to vector<16xf32>
      %swap3A_175 = arith.index_cast %scan3A_37 : i32 to index
      %swap3A_176 = arith.constant 176 : index
      %swap3A_177 = tpu.vector_load %arg10[%swap3A_175, %swap3A_176] {strides = array<i32>} : memref<26x256xf32, #tpu.memory_space<vmem>>, vector<1x16xf32>,
      %swap3A_178 = vector.shape_cast %swap3A_177 : vector<1x16xf32> to vector<16xf32>
      %swap3A_179 = vector.shape_cast %get3A_174 : vector<16xf32> to vector<1x16xf32>
      tpu.vector_store %arg10[%swap3A_175, %swap3A_176], %swap3A_179 {strides = array<i32>} : memref<26x256xf32, #tpu.memory_space<vmem>>, vector<1x16xf32>,
      %mul3A_180 = arith.constant 256 : i32
      %mul3A_181 = arith.muli %scan3A_37, %mul3A_180 : i32
      %add3A_182 = arith.constant 192 : i32
      %add3A_183 = arith.addi %mul3A_181, %add3A_182 : i32
      %get3A_184 = arith.index_cast %add3A_183 : i32 to index
      %get3A_185 = tpu.vector_load %arg9[%get3A_184] {strides = array<i32>} : memref<6656xf32, #tpu.memory_space<vmem>>, vector<16xf32>,
      %get3A_186 = vector.shape_cast %get3A_185 : vector<16xf32> to vector<16xf32>
      %swap3A_187 = arith.index_cast %scan3A_37 : i32 to index
      %swap3A_188 = arith.constant 192 : index
      %swap3A_189 = tpu.vector_load %arg10[%swap3A_187, %swap3A_188] {strides = array<i32>} : memref<26x256xf32, #tpu.memory_space<vmem>>, vector<1x16xf32>,
      %swap3A_190 = vector.shape_cast %swap3A_189 : vector<1x16xf32> to vector<16xf32>
      %swap3A_191 = vector.shape_cast %get3A_186 : vector<16xf32> to vector<1x16xf32>
      tpu.vector_store %arg10[%swap3A_187, %swap3A_188], %swap3A_191 {strides = array<i32>} : memref<26x256xf32, #tpu.memory_space<vmem>>, vector<1x16xf32>,
      %mul3A_192 = arith.constant 256 : i32
      %mul3A_193 = arith.muli %scan3A_37, %mul3A_192 : i32
      %add3A_194 = arith.constant 208 : i32
      %add3A_195 = arith.addi %mul3A_193, %add3A_194 : i32
      %get3A_196 = arith.index_cast %add3A_195 : i32 to index
      %get3A_197 = tpu.vector_load %arg9[%get3A_196] {strides = array<i32>} : memref<6656xf32, #tpu.memory_space<vmem>>, vector<16xf32>,
      %get3A_198 = vector.shape_cast %get3A_197 : vector<16xf32> to vector<16xf32>
      %swap3A_199 = arith.index_cast %scan3A_37 : i32 to index
      %swap3A_200 = arith.constant 208 : index
      %swap3A_201 = tpu.vector_load %arg10[%swap3A_199, %swap3A_200] {strides = array<i32>} : memref<26x256xf32, #tpu.memory_space<vmem>>, vector<1x16xf32>,
      %swap3A_202 = vector.shape_cast %swap3A_201 : vector<1x16xf32> to vector<16xf32>
      %swap3A_203 = vector.shape_cast %get3A_198 : vector<16xf32> to vector<1x16xf32>
      tpu.vector_store %arg10[%swap3A_199, %swap3A_200], %swap3A_203 {strides = array<i32>} : memref<26x256xf32, #tpu.memory_space<vmem>>, vector<1x16xf32>,
      %mul3A_204 = arith.constant 256 : i32
      %mul3A_205 = arith.muli %scan3A_37, %mul3A_204 : i32
      %add3A_206 = arith.constant 224 : i32
      %add3A_207 = arith.addi %mul3A_205, %add3A_206 : i32
      %get3A_208 = arith.index_cast %add3A_207 : i32 to index
      %get3A_209 = tpu.vector_load %arg9[%get3A_208] {strides = array<i32>} : memref<6656xf32, #tpu.memory_space<vmem>>, vector<16xf32>,
      %get3A_210 = vector.shape_cast %get3A_209 : vector<16xf32> to vector<16xf32>
      %swap3A_211 = arith.index_cast %scan3A_37 : i32 to index
      %swap3A_212 = arith.constant 224 : index
      %swap3A_213 = tpu.vector_load %arg10[%swap3A_211, %swap3A_212] {strides = array<i32>} : memref<26x256xf32, #tpu.memory_space<vmem>>, vector<1x16xf32>,
      %swap3A_214 = vector.shape_cast %swap3A_213 : vector<1x16xf32> to vector<16xf32>
      %swap3A_215 = vector.shape_cast %get3A_210 : vector<16xf32> to vector<1x16xf32>
      tpu.vector_store %arg10[%swap3A_211, %swap3A_212], %swap3A_215 {strides = array<i32>} : memref<26x256xf32, #tpu.memory_space<vmem>>, vector<1x16xf32>,
      %mul3A_216 = arith.constant 256 : i32
      %mul3A_217 = arith.muli %scan3A_37, %mul3A_216 : i32
      %add3A_218 = arith.constant 240 : i32
      %add3A_219 = arith.addi %mul3A_217, %add3A_218 : i32
      %get3A_220 = arith.index_cast %add3A_219 : i32 to index
      %get3A_221 = tpu.vector_load %arg9[%get3A_220] {strides = array<i32>} : memref<6656xf32, #tpu.memory_space<vmem>>, vector<16xf32>,
      %get3A_222 = vector.shape_cast %get3A_221 : vector<16xf32> to vector<16xf32>
      %swap3A_223 = arith.index_cast %scan3A_37 : i32 to index
      %swap3A_224 = arith.constant 240 : index
      %swap3A_225 = tpu.vector_load %arg10[%swap3A_223, %swap3A_224] {strides = array<i32>} : memref<26x256xf32, #tpu.memory_space<vmem>>, vector<1x16xf32>,
      %swap3A_226 = vector.shape_cast %swap3A_225 : vector<1x16xf32> to vector<16xf32>
      %swap3A_227 = vector.shape_cast %get3A_222 : vector<16xf32> to vector<1x16xf32>
      tpu.vector_store %arg10[%swap3A_223, %swap3A_224], %swap3A_227 {strides = array<i32>} : memref<26x256xf32, #tpu.memory_space<vmem>>, vector<1x16xf32>,
    }
    %scan3A_34 = arith.constant 26 : i32
    %add3A_35 = arith.constant 256 : i32
    %add3A_36 = arith.addi %mul3A_2, %add3A_35 : i32
    "tpu.region"() ({
      %run_scoped3A = tpu.sem_alloc : memref<!tpu.dma_semaphore, #tpu.memory_space<semaphore_mem>>
      %dma_start3A_37 = arith.constant 0 : i32
      %dma_start3A_38 = tpu.memref_slice %arg4[%dma_start3A_37, %add3A_36] : memref<26x16384xf32, #tpu.memory_space<hbm>> -> memref<26x256xf32, #tpu.memory_space<hbm>>
      %dma_start3A_39 = arith.constant 0 : i32
      %dma_start3A_40 = tpu.memref_slice %arg4[%dma_start3A_39, %add3A_36] : memref<26x16384xf32, #tpu.memory_space<hbm>> -> memref<26x256xf32, #tpu.memory_space<hbm>>
      tpu.enqueue_dma source(%arg10 : memref<26x256xf32, #tpu.memory_space<vmem>>) target(%dma_start3A_40 : memref<26x256xf32, #tpu.memory_space<hbm>>) target_semaphore(%run_scoped3A : memref<!tpu.dma_semaphore, #tpu.memory_space<semaphore_mem>>)
      %dma_wait3A_41 = arith.constant 0 : i32
      %dma_wait3A_42 = tpu.memref_slice %arg4[%dma_wait3A_41, %add3A_36] : memref<26x16384xf32, #tpu.memory_space<hbm>> -> memref<26x256xf32, #tpu.memory_space<hbm>>
      %dma_wait3A_43 = arith.constant 0 : i32
      %dma_wait3A_44 = tpu.memref_slice %arg4[%dma_wait3A_43, %add3A_36] : memref<26x16384xf32, #tpu.memory_space<hbm>> -> memref<26x256xf32, #tpu.memory_space<hbm>>
      tpu.wait_dma2 semaphore(%run_scoped3A : memref<!tpu.dma_semaphore, #tpu.memory_space<semaphore_mem>>) src(%arg10 : memref<26x256xf32, #tpu.memory_space<vmem>>) dst(%dma_wait3A_44 : memref<26x256xf32, #tpu.memory_space<hbm>>)
      tpu.yield
    }) : () -> ()
    return
  }
}

</mosaic_0001>

<sc_bundles>
// kernel: kernel.3.cloned.1.call-start
scs
__scs_entry_jumppad:
0x0: {  	(pc) =	sbr.rel $0x88, $3  }
0x1: {  	(tag) =	ssettag $0x0;
	lr =	simm.s32 $0x1  }
0x2: {  	[smem:$0x3F9F] =	sst lr;
	_ =	strace $0xD0000000  }
0x3: {  	_ = 	snop  }
0x4: {  	_ = 	snop  }
0x5: {  	_ = 	snop  }
0x6: {  	_ = 	snop  }
0x7: {  	_ = 	snop  }
__scs_overlays_trampoline_lowered:
0x8: {  	[smem:$0x3FAE] =	sst s0  }
0x9: {  	[smem:$0x3FAF] =	sst s1  }
0xa: {  	[smem:$0x3FB0] =	sst s2  }
0xb: {  	[smem:$0x3FB1] =	sst s3  }
0xc: {  	[smem:$0x3FB2] =	sst s4  }
0xd: {  	[smem:$0x3FB3] =	sst s5  }
0xe: {  	[smem:$0x3FB4] =	sst s6  }
0xf: {  	[smem:$0x3FB5] =	sst s7  }
0x10: {  	[smem:$0x3FB6] =	sst s8  }
0x11: {  	[smem:$0x3FB7] =	sst s9;
	s0 =	simm.s32 @!p0 $0x0  }
0x12: {  	s1 =	sld [smem:$0x3F9D];
	s0 =	simm.s32 @p0 $0x1  }
0x13: {  	[smem:$0x3FB8] =	sst s0;
	s0 =	simm.s32 @!p1 $0x0  }
0x14: {  	s2 =	sld [smem:$0x3F9C];
	s0 =	simm.s32 @p1 $0x1  }
0x15: {  	[smem:$0x3FB9] =	sst s0;
	s0 =	simm.s32 @!p2 $0x0  }
0x16: {  	s3 =	sld [smem:$0x3FDB];
	s0 =	simm.s32 @p2 $0x1  }
0x17: {  	s4 =	simm.s32 $0x1BF5;
	[smem:$0x3FBB] =	sst s0  }
0x18: {  	s0 =	sld [smem:$0x3F9E];
	_ =	swait.ge [sflag:s4], $0x0  }
0x19: {  	s7 =	sld [smem:$0x3F9F]  }
0x1a: {  	s8 =	sadd.s32 $0xFFFFE003, lr  }
0x1b: {  	s9 =	sadd.s32 $0xFFFFFEF7, lr;
	s5 =	simm.s32 $0xFFFFFFFF;
	p2 =	slt.u32 s8, $0xFFFFF086  }
0x1c: {  	p1 =	slt.u32 s9, $0xF7A;
	s5 =	simm.s32 @!p2 $0x0  }
0x1d: {  	s5 =	simm.s32 @p1 $0x1;
	p0 =	seq.s32 s7, s2  }
0x1e: {  	s7 =	smul.u32 @!p0 $0xF7A, s2;
	p2 =	seq.s32 @!p0 s5, $0x0  }
0x1f: {  	s9 =	smul.u32 $0xF7A, s1;
	s8 =	simm.s32 @!p0 $0x1BF5;
	p2 =	por !p2, p0  }
0x20: {  	[sflag:s8] =	ssyncset.s32 @!p0 $0xFFFFF086;
	s6 =	sadd.s32 @!p0 s3, s7;
	s7 =	simm.s32 @!p0 $0x108  }
0x21: {  	s3 =	sadd.s32 s3, s9;
	s6 =	sadd.s32 @!p0 $0x88, s6;
	s7 =	simm.s32 @p2 $0x1082  }
0x22: {  	[simem:s7], [sflag:s8] =	dma.local @!p0 [hbm:s6], $0xF7A  }
0x23: {  	s9 =	sor.u32 $0xD0000000, s2;
	s6 =	simm.s32 $0x108;
	_ =	swait.ge @!p0 [sflag:s8], $0x0  }
0x24: {  	s3 =	sadd.s32 $0x88, s3;
	s6 =	simm.s32 @!p1 $0x1082;
	[sflag:s4] =	ssyncset.s32 $0xFFFFF086  }
0x25: {  	[simem:s6], [sflag:s4] =	dma.local [hbm:s3], $0xF7A  }
0x26: {  	[smem:$0x3F9F] =	sst s1;
	(tag) =	ssettag s2;
	_ =	strace s9  }
0x27: {  	s1 =	sld [smem:$0x3FAF]  }
0x28: {  	s2 =	sld [smem:$0x3FB0]  }
0x29: {  	s4 =	sld [smem:$0x3FB2]  }
0x2a: {  	p0 =	seq.s32 s5, $0x0;
	s5 =	sld [smem:$0x3FB3]  }
0x2b: {  	s6 =	sld [smem:$0x3FB4]  }
0x2c: {  	s7 =	sld [smem:$0x3FB5]  }
0x2d: {  	s3 =	simm.s32 $0x108;
	s8 =	sld [smem:$0x3FB6]  }
0x2e: {  	s3 =	simm.s32 @!p0 $0x1082;
	s9 =	sld [smem:$0x3FB7]  }
0x2f: {  	lr =	sadd.s32 s0, s3;
	s0 =	sld [smem:$0x3FAE]  }
0x30: {  	s3 =	sld [smem:$0x3FB1]  }
0x31: {  	[smem:$0x3FBA] =	sst s10  }
0x32: {  	s10 =	sld [smem:$0x3FB8];
	_ =	sdelay $0x3  }
0x33: {  	p0 =	seq.s32 s10, $0x1;
	s10 =	sld [smem:$0x3FBA];
	_ =	sdelay $0x3  }
0x34: {  	[smem:$0x3FBA] =	sst s10  }
0x35: {  	s10 =	sld [smem:$0x3FB9];
	_ =	sdelay $0x3  }
0x36: {  	p1 =	seq.s32 s10, $0x1;
	s10 =	sld [smem:$0x3FBA];
	_ =	sdelay $0x3  }
0x37: {  	[smem:$0x3FBA] =	sst s10  }
0x38: {  	s10 =	sld [smem:$0x3FBB]  }
0x39: {  	_ = 	snop;
	(pc) =	sbr.ind lr, $3  }
0x3a: {  	_ = 	snop  }
0x3b: {  	_ = 	snop  }
0x3c: {  	p2 =	seq.s32 s10, $0x1;
	s10 =	sld [smem:$0x3FBA]  }
0x3d: {  	_ =	shalt  }
0x3e: {  	_ =	shalt  }
0x3f: {  	_ =	shalt  }
0x40: {  	_ =	shalt  }
0x41: {  	_ =	shalt  }
0x42: {  	_ =	shalt  }
0x43: {  	_ =	shalt  }
0x44: {  	_ =	shalt  }
0x45: {  	_ =	shalt  }
0x46: {  	_ =	shalt  }
0x47: {  	_ =	shalt  }
0x48: {  	_ =	shalt  }
0x49: {  	_ =	shalt  }
0x4a: {  	_ =	shalt  }
0x4b: {  	_ =	shalt  }
0x4c: {  	_ =	shalt  }
0x4d: {  	_ =	shalt  }
0x4e: {  	_ =	shalt  }
0x4f: {  	_ =	shalt  }
0x50: {  	_ =	shalt  }
0x51: {  	_ =	shalt  }
0x52: {  	_ =	shalt  }
0x53: {  	_ =	shalt  }
0x54: {  	_ =	shalt  }
0x55: {  	_ =	shalt  }
0x56: {  	_ =	shalt  }
0x57: {  	_ =	shalt  }
0x58: {  	_ =	shalt  }
0x59: {  	_ =	shalt  }
0x5a: {  	_ =	shalt  }
0x5b: {  	_ =	shalt  }
0x5c: {  	_ =	shalt  }
0x5d: {  	_ =	shalt  }
0x5e: {  	_ =	shalt  }
0x5f: {  	_ =	shalt  }
0x60: {  	_ =	shalt  }
0x61: {  	_ =	shalt  }
0x62: {  	_ =	shalt  }
0x63: {  	_ =	shalt  }
0x64: {  	_ =	shalt  }
0x65: {  	_ =	shalt  }
0x66: {  	_ =	shalt  }
0x67: {  	_ =	shalt  }
0x68: {  	_ =	shalt  }
0x69: {  	_ =	shalt  }
0x6a: {  	_ =	shalt  }
0x6b: {  	_ =	shalt  }
0x6c: {  	_ =	shalt  }
0x6d: {  	_ =	shalt  }
0x6e: {  	_ =	shalt  }
0x6f: {  	_ =	shalt  }
0x70: {  	_ =	shalt  }
0x71: {  	_ =	shalt  }
0x72: {  	_ =	shalt  }
0x73: {  	_ =	shalt  }
0x74: {  	_ =	shalt  }
0x75: {  	_ =	shalt  }
0x76: {  	_ =	shalt  }
0x77: {  	_ =	shalt  }
0x78: {  	_ =	shalt  }
0x79: {  	_ =	shalt  }
0x7a: {  	_ =	shalt  }
0x7b: {  	_ =	shalt  }
0x7c: {  	_ =	shalt  }
0x7d: {  	_ =	shalt  }
0x7e: {  	_ =	shalt  }
0x7f: {  	_ =	shalt  }
0x80: {  	_ =	shalt  }
0x81: {  	_ =	shalt  }
0x82: {  	_ =	shalt  }
0x83: {  	_ =	shalt  }
0x84: {  	_ =	shalt  }
0x85: {  	_ =	shalt  }
0x86: {  	_ =	shalt  }
0x87: {  	_ =	shalt  }
.Lfunc_end0:
.L_simem_size_0:
called_computation_lowered:
.L_overlay_start_0:
0x88: {  	s2 =	sld [smem:$0x3FD9]  }
0x89: {  	s3 =	sld [smem:$0x3FFE];
	_ =	sdelay $0x1  }
0x8a: {  	s1 =	srdreg.scid  }
0x8b: {  	s0 =	sand.u32 $0x1, s1  }
0x8c: {  	s24 =	sshll.u32 s0, $0xA;
	s2 =	sadd.s32 s3, s2  }
0x8d: {  	s2 =	sadd.s32 s2, s24  }
0x8e: {  	[smem:$0x3FC6] =	sst s2  }
0x8f: {  	_ = 	snop  }
0x90: {  	s25 =	sld [smem:$0x3FC9]  }
0x91: {  	s4 =	sld [smem:$0x3FC8]  }
0x92: {  	s5 =	sld [smem:$0x3FD0];
	(tm) =	ssettm $0x1  }
0x93: {  	s26 =	sld [smem:$0x3FFB];
	_ =	sdelay $0x3  }
0x94: {  	_ =	strace s26  }
0x95: {  	s2 =	sld [smem:$0x3FFC];
	_ =	sdelay $0x3  }
0x96: {  	_ =	strace s2  }
0x97: {  	s2 =	sld [smem:$0x3FFD];
	_ =	sdelay $0x3  }
0x98: {  	_ =	strace s2  }
0x99: {  	_ =	strace $0x8FFFFFFF  }
0x9a: {  	s28 =	sld [smem:$0x3FDB];
	_ =	sdelay $0x1  }
0x9b: {  	s6 =	simm.s32 $_scs_section_size  }
0x9c: {  	s7 =	simm.s32 $_size__tile_overlayer_lowered;
	s8 =	simm.s32 $_tile_overlayer_lowered  }
0x9d: {  	s9 =	simm.s32 $0x1BFF;
	s29 =	sshll.u32 s8, $0x1;
	s6 =	sadd.s32 s6, s28  }
0x9e: {  	s7 =	sshll.u32 s7, $0x1;
	s2 =	simm.s32 $0x0;
	s8 =	sadd.s32 s29, s6  }
0x9f: {  	[timem:s2], [sflag:s9] =	dma.local [hbm:s8], s7  }
0xa0: {  	_ =	swait.ge [sflag:s9], s7  }
0xa1: {  	s7 =	ssub.s32 $0x0, s7;
	[sflag:s9] =	ssyncset.done $0x0  }
0xa2: {  	[sflag:s9] =	ssyncadd.s32 s7;
	_ =	sdelay $0x1  }
0xa3: {  	s30 =	simm.s32 $0x1B8B  }
0xa4: {  	_ =	swait.ge [sflag:s30], $0x1  }
0xa5: {  	[sflag:s30] =	ssyncset.done $0x0  }
0xa6: {  	s31 =	simm.s32 $0x1B8E;
	[sflag:s30] =	ssyncadd.s32 $0xFFFFFFFF  }
0xa7: {  	s8 =	simm.s32 $execute0_lowered;
	[smem:$0x3FD2] =	sst s31  }
0xa8: {  	s7 =	sshll.u32 s8, $0x1;
	_ =	strace $0x80000046;
	[dreg:$0x1] =	wrdreg $0xFFFFFFFF  }
0xa9: {  	s9 =	simm.s32 $_size_execute0_lowered;
	s6 =	sadd.s32 s6, s7;
	[dreg:$0x0] =	wrdreg $0x0  }
0xaa: {  	s7 =	sshll.u32 s9, $0x1;
	[dreg:$0x2] =	wrdreg s6  }
0xab: {  	[dreg:$0x3] =	wrdreg s7  }
0xac: {  	[dreg:$0x4] =	wrdreg $0xC0  }
0xad: {  	_ =	task [dreg:s2], $0x5FFFF  }
0xae: {  	[dreg:$0x1] =	wrdreg $0xFFFFFFFF  }
0xaf: {  	[dreg:$0x0] =	wrdreg $0x60  }
0xb0: {  	[dreg:$0x2] =	wrdreg s25  }
0xb1: {  	[dreg:$0x3] =	wrdreg s5  }
0xb2: {  	[dreg:$0x4] =	wrdreg $0xA8000  }
0xb3: {  	[dreg:$0x5] =	wrdreg $0x9  }
0xb4: {  	s10 =	simm.s32 $0xA;
	s11 =	simm.s32 $0x15000;
	_ =	task.clear_ibuf [dreg:s2], $0x6FFFF  }
0xb5: {  	[spmem:s11], [sflag:s10] =	dma.local [hbm:s4], $0x1E850  }
0xb6: {  	_ =	swait.ge [sflag:s10], $0x1E850  }
0xb7: {  	[sflag:s10] =	ssyncset.done $0x0  }
0xb8: {  	[sflag:s10] =	ssyncadd.s32 $0xFFFE17B0  }
0xb9: {  	s3 =	sld [smem:$0x0];
	_ =	sdelay $0x2  }
0xba: {  	s12 =	sshrl.u32 s1, $0x2  }
0xbb: {  	s13 =	sand.u32 $0x3, s1;
	s3 =	sadd.s32 s12, s3  }
0xbc: {  	s5 =	sshll.u32 s13, $0xE;
	s3 =	sshll.u32 s3, $0x11  }
0xbd: {  	s3 =	sor.u32 s3, s5  }
0xbe: {  	s5 =	sor.u32 $0x11C03, s3  }
0xbf: {  	s14 =	sor.u32 $0x11C43, s3;
	[sflag:s5] =	ssyncadd.remote.s32 $0x1  }
0xc0: {  	s15 =	sor.u32 $0x11C83, s3;
	[sflag:s14] =	ssyncadd.remote.s32 $0x1  }
0xc1: {  	s16 =	sor.u32 $0x11CC3, s3;
	[sflag:s15] =	ssyncadd.remote.s32 $0x1  }
0xc2: {  	s17 =	sor.u32 $0x11D03, s3;
	[sflag:s16] =	ssyncadd.remote.s32 $0x1  }
0xc3: {  	s18 =	sor.u32 $0x11D43, s3;
	[sflag:s17] =	ssyncadd.remote.s32 $0x1  }
0xc4: {  	s19 =	sor.u32 $0x11D83, s3;
	[sflag:s18] =	ssyncadd.remote.s32 $0x1  }
0xc5: {  	s20 =	sor.u32 $0x11DC3, s3;
	[sflag:s19] =	ssyncadd.remote.s32 $0x1  }
0xc6: {  	s21 =	sor.u32 $0x11E03, s3;
	[sflag:s20] =	ssyncadd.remote.s32 $0x1  }
0xc7: {  	s22 =	sor.u32 $0x11E43, s3;
	[sflag:s21] =	ssyncadd.remote.s32 $0x1  }
0xc8: {  	s23 =	sor.u32 $0x11E83, s3;
	[sflag:s22] =	ssyncadd.remote.s32 $0x1  }
0xc9: {  	s24 =	sor.u32 $0x11EC3, s3;
	[sflag:s23] =	ssyncadd.remote.s32 $0x1  }
0xca: {  	s25 =	sor.u32 $0x11F03, s3;
	[sflag:s24] =	ssyncadd.remote.s32 $0x1  }
0xcb: {  	s26 =	sor.u32 $0x11F43, s3;
	[sflag:s25] =	ssyncadd.remote.s32 $0x1  }
0xcc: {  	s28 =	sor.u32 $0x11F83, s3;
	[sflag:s26] =	ssyncadd.remote.s32 $0x1  }
0xcd: {  	s3 =	sor.u32 $0x11FC3, s3;
	[sflag:s28] =	ssyncadd.remote.s32 $0x1  }
0xce: {  	[sflag:s3] =	ssyncadd.remote.s32 $0x1  }
0xcf: {  	_ =	strace $0x90000046  }
0xd0: {  	s29 =	simm.s32 $0x9;
	_ =	strace $0x80000048  }
0xd1: {  	_ =	swait.ge [sflag:s29], $0x1  }
0xd2: {  	[sflag:s29] =	ssyncadd.s32 $0xFFFFFFFF  }
0xd3: {  	_ =	strace $0x90000048  }
0xd4: {  	_ =	sfence  }
0xd5: {  	s30 =	sld [smem:$0x0];
	_ =	sdelay $0x2  }
0xd6: {  	s1 =	sshll.u32 s1, $0xD  }
0xd7: {  	s1 =	sand.u32 $0x4000, s1;
	s3 =	sadd.s32 s12, s30  }
0xd8: {  	s0 =	sor.u32 s1, s0;
	s31 =	sshll.u32 s3, $0x11  }
0xd9: {  	s0 =	sor.u32 s31, s0  }
0xda: {  	s0 =	sadd.s32 $0x8F2B, s0  }
0xdb: {  	[sflag:s0] =	ssyncadd.remote.s32 $0x1  }
0xdc: {  	_ =	sfence.sel $0xFFFF  }
0xdd: {  	[dreg:$0x0] =	wrdreg $0xFFFFFFFF;
	(pc) =	sbr.abs _section_cstart, $3  }
0xde: {  	[dreg:$0x1] =	wrdreg $0xFFFFFFFF  }
0xdf: {  	_ =	task.clear_ibuf [dreg:s2], $0x2FFFF;
	_ =	strace $0x9FFFFFFF  }
0xe0: {  	(tm) =	ssettm $0x7FFFFFFF  }
0xe1: {  	_ =	shalt  }
tec
execute0_lowered:
.L_overlay_start_1:
0x0: {  	(tag) =	ssettag $0x1  }
0x1: {  	s5 =	rddreg [dreg:$0x0]  }
0x2: {  	s7 =	rddreg [dreg:$0x1]  }
0x3: {  	s2 =	rddreg [dreg:$0x2]  }
0x4: {  	s0 =	rddreg [dreg:$0x3];
	s4 =	srdreg.scid  }
0x5: {  	s3 =	simm.s32 $0x0;
	s1 =	stileid.u32;
	s11 =	simm.s32 $0x4  }
0x6: {  	s12 =	simm.s32 $0x3;
	s13 =	simm.s32 $0x1A00;
	s14 =	simm.s32 $0x2000  }
0x7: {  	s15 =	simm.s32 $0x5400;
	s16 =	simm.s32 $0x3A00;
	s17 =	simm.s32 $0x6E00  }
0x8: {  	s18 =	simm.s32 $0x1;
	s19 =	simm.s32 $0x8800;
	s20 =	simm.s32 $0x2  }
0x9: {  	s21 =	simm.s32 $0x0;
	s4 =	sand.u32 $0x1, s4;
	s8 =	sshll.u32 s1, $0xA  }
0xa: {  	[smem:$0x7FF] =	sst s3;
	s6 =	ssub.s32 $0x2, s4;
	s4 =	sshll.u32 s4, $0x9  }
0xb: {  	_ =	strace $0x80000047;
	s9 =	sshrl.u32 s6, $0x1;
	s8 =	sor.u32 s4, s8  }
0xc: {  	s9 =	ssub.s32 s6, s9;
	s10 =	sor.u32 $0x100, s8;
	s4 =	sadd.s32 s5, s8  }
0xd: {  	s6 =	sadd.s32 s7, s8;
	s5 =	sadd.s32 s5, s10;
	s7 =	sadd.s32 s7, s10  }
0xe: {  	s8 =	smax.u32 s9, $0x1;
	s9 =	simm.s32 $0x800;
	s10 =	simm.s32 $0x20000  }
.LBB2_1:
0xf: {  	[tilespmem:s3], [sflag:$0x4] =	stream.strided.gather [hbm4b:s4+s9], $0x2000, s10, s9, $0x38;
	[tilespmem:$0x19C28] =	vst v63  }
0x10: {  	_ =	swait.ge [sflag:s11], $0x2000  }
0x11: {  	s22 =	sand.u32 $0x1800, s3;
	s23 =	sand.u32 $0x380, s3;
	[sflag:s11] =	ssyncset.done $0x0  }
0x12: {  	s24 =	sor.u32 s23, s22;
	[sflag:s11] =	ssyncadd.s32 $0xFFFFE000  }
0x13: {  	v0 =	vld [tilespmem:s24+$0x0];
	_ =	sdelay $0x3  }
0x14: {  	s22 =	simm.s32 $0x2080  }
0x15: {  	[tilespmem:s22+$0xFFFFFF80] =	vst v0  }
0x16: {  	v0 =	vld [tilespmem:s24+$0x10];
	_ =	sdelay $0x4  }
0x17: {  	[tilespmem:s22+$0xFFFFFF90] =	vst v0  }
0x18: {  	v0 =	vld [tilespmem:s24+$0x20];
	_ =	sdelay $0x4  }
0x19: {  	[tilespmem:s22+$0xFFFFFFA0] =	vst v0  }
0x1a: {  	v0 =	vld [tilespmem:s24+$0x30];
	_ =	sdelay $0x4  }
0x1b: {  	[tilespmem:s22+$0xFFFFFFB0] =	vst v0  }
0x1c: {  	v0 =	vld [tilespmem:s24+$0x40];
	_ =	sdelay $0x4  }
0x1d: {  	[tilespmem:s22+$0xFFFFFFC0] =	vst v0  }
0x1e: {  	v0 =	vld [tilespmem:s24+$0x50];
	_ =	sdelay $0x4  }
0x1f: {  	[tilespmem:s22+$0xFFFFFFD0] =	vst v0  }
0x20: {  	v0 =	vld [tilespmem:s24+$0x60];
	_ =	sdelay $0x4  }
0x21: {  	[tilespmem:s22+$0xFFFFFFE0] =	vst v0  }
0x22: {  	v0 =	vld [tilespmem:s24+$0x70];
	_ =	sdelay $0x4  }
0x23: {  	[tilespmem:s22+$0xFFFFFFF0] =	vst v0  }
0x24: {  	v0 =	vld [tilespmem:s24+$0x400];
	_ =	sdelay $0x4  }
0x25: {  	[tilespmem:s22+$0x0] =	vst v0  }
0x26: {  	v0 =	vld [tilespmem:s24+$0x410];
	_ =	sdelay $0x4  }
0x27: {  	[tilespmem:s22+$0x10] =	vst v0  }
0x28: {  	v0 =	vld [tilespmem:s24+$0x420];
	_ =	sdelay $0x4  }
0x29: {  	[tilespmem:s22+$0x20] =	vst v0  }
0x2a: {  	v0 =	vld [tilespmem:s24+$0x430];
	_ =	sdelay $0x4  }
0x2b: {  	[tilespmem:s22+$0x30] =	vst v0  }
0x2c: {  	v0 =	vld [tilespmem:s24+$0x440];
	_ =	sdelay $0x4  }
0x2d: {  	[tilespmem:s22+$0x40] =	vst v0  }
0x2e: {  	v0 =	vld [tilespmem:s24+$0x450];
	_ =	sdelay $0x4  }
0x2f: {  	[tilespmem:s22+$0x50] =	vst v0  }
0x30: {  	v0 =	vld [tilespmem:s24+$0x460];
	_ =	sdelay $0x4  }
0x31: {  	[tilespmem:s22+$0x60] =	vst v0  }
0x32: {  	v0 =	vld [tilespmem:s24+$0x470];
	_ =	sdelay $0x2  }
0x33: {  	s25 =	simm.s32 $0x100;
	s23 =	simm.s32 $0x80  }
0x34: {  	s25 =	sand.u32 $0x1800, s25;
	s26 =	sand.u32 $0x380, s23;
	s24 =	simm.s32 $0x200  }
.LBB2_2:
0x35: {  	p0 =	sne.s32 s24, $0x1900;
	s25 =	sor.u32 s26, s25;
	[tilespmem:s22+$0x70] =	vst v0  }
0x36: {  	v0 =	vld [tilespmem:s25+$0x0];
	_ =	sdelay $0x3  }
0x37: {  	s22 =	sadd.s32 $0x100, s22  }
0x38: {  	[tilespmem:s22+$0xFFFFFF80] =	vst v0  }
0x39: {  	v0 =	vld [tilespmem:s25+$0x10];
	_ =	sdelay $0x4  }
0x3a: {  	[tilespmem:s22+$0xFFFFFF90] =	vst v0  }
0x3b: {  	v0 =	vld [tilespmem:s25+$0x20];
	_ =	sdelay $0x4  }
0x3c: {  	[tilespmem:s22+$0xFFFFFFA0] =	vst v0  }
0x3d: {  	v0 =	vld [tilespmem:s25+$0x30];
	_ =	sdelay $0x4  }
0x3e: {  	[tilespmem:s22+$0xFFFFFFB0] =	vst v0  }
0x3f: {  	v0 =	vld [tilespmem:s25+$0x40];
	_ =	sdelay $0x4  }
0x40: {  	[tilespmem:s22+$0xFFFFFFC0] =	vst v0  }
0x41: {  	v0 =	vld [tilespmem:s25+$0x50];
	_ =	sdelay $0x4  }
0x42: {  	[tilespmem:s22+$0xFFFFFFD0] =	vst v0  }
0x43: {  	v0 =	vld [tilespmem:s25+$0x60];
	_ =	sdelay $0x4  }
0x44: {  	[tilespmem:s22+$0xFFFFFFE0] =	vst v0  }
0x45: {  	v0 =	vld [tilespmem:s25+$0x70];
	_ =	sdelay $0x4  }
0x46: {  	[tilespmem:s22+$0xFFFFFFF0] =	vst v0  }
0x47: {  	v0 =	vld [tilespmem:s25+$0x400];
	_ =	sdelay $0x4  }
0x48: {  	[tilespmem:s22+$0x0] =	vst v0  }
0x49: {  	v0 =	vld [tilespmem:s25+$0x410];
	_ =	sdelay $0x4  }
0x4a: {  	[tilespmem:s22+$0x10] =	vst v0  }
0x4b: {  	v0 =	vld [tilespmem:s25+$0x420];
	_ =	sdelay $0x4  }
0x4c: {  	[tilespmem:s22+$0x20] =	vst v0  }
0x4d: {  	v0 =	vld [tilespmem:s25+$0x430];
	_ =	sdelay $0x4  }
0x4e: {  	[tilespmem:s22+$0x30] =	vst v0  }
0x4f: {  	v0 =	vld [tilespmem:s25+$0x440];
	_ =	sdelay $0x4  }
0x50: {  	[tilespmem:s22+$0x40] =	vst v0  }
0x51: {  	v0 =	vld [tilespmem:s25+$0x450];
	_ =	sdelay $0x4  }
0x52: {  	[tilespmem:s22+$0x50] =	vst v0  }
0x53: {  	v0 =	vld [tilespmem:s25+$0x460];
	_ =	sdelay $0x4  }
0x54: {  	[tilespmem:s22+$0x60] =	vst v0  }
.Ltmp0:
0x55: {  	v0 =	vld [tilespmem:s25+$0x470];
	(pc) =	sbr.rel @p0 .LBB2_2-.Ltmp0, $3  }
0x56: {  	_ =	sdelay $0x1  }
0x57: {  	s23 =	sadd.s32 $0x80, s23  }
0x58: {  	s26 =	sand.u32 $0x380, s23;
	s25 =	sand.u32 $0x1800, s24;
	s24 =	sadd.s32 $0x100, s24  }
0x59: {  	s23 =	sor.u32 s26, s25;
	[tilespmem:s22+$0x70] =	vst v0  }
0x5a: {  	v0 =	vld [tilespmem:s23+$0x0];
	_ =	sdelay $0x3  }
0x5b: {  	s28 =	sadd.s32 $0x100, s22  }
0x5c: {  	[tilespmem:s28+$0xFFFFFF80] =	vst v0  }
0x5d: {  	v0 =	vld [tilespmem:s23+$0x10];
	_ =	sdelay $0x4  }
0x5e: {  	[tilespmem:s28+$0xFFFFFF90] =	vst v0  }
0x5f: {  	v0 =	vld [tilespmem:s23+$0x20];
	_ =	sdelay $0x4  }
0x60: {  	[tilespmem:s28+$0xFFFFFFA0] =	vst v0  }
0x61: {  	v0 =	vld [tilespmem:s23+$0x30];
	_ =	sdelay $0x4  }
0x62: {  	[tilespmem:s28+$0xFFFFFFB0] =	vst v0  }
0x63: {  	v0 =	vld [tilespmem:s23+$0x40];
	_ =	sdelay $0x4  }
0x64: {  	[tilespmem:s28+$0xFFFFFFC0] =	vst v0  }
0x65: {  	v0 =	vld [tilespmem:s23+$0x50];
	_ =	sdelay $0x4  }
0x66: {  	[tilespmem:s28+$0xFFFFFFD0] =	vst v0  }
0x67: {  	v0 =	vld [tilespmem:s23+$0x60];
	_ =	sdelay $0x4  }
0x68: {  	[tilespmem:s28+$0xFFFFFFE0] =	vst v0  }
0x69: {  	v0 =	vld [tilespmem:s23+$0x70];
	_ =	sdelay $0x4  }
0x6a: {  	[tilespmem:s28+$0xFFFFFFF0] =	vst v0  }
0x6b: {  	v0 =	vld [tilespmem:s23+$0x400];
	_ =	sdelay $0x4  }
0x6c: {  	[tilespmem:s28+$0x0] =	vst v0  }
0x6d: {  	v0 =	vld [tilespmem:s23+$0x410];
	_ =	sdelay $0x4  }
0x6e: {  	[tilespmem:s28+$0x10] =	vst v0  }
0x6f: {  	v0 =	vld [tilespmem:s23+$0x420];
	_ =	sdelay $0x4  }
0x70: {  	[tilespmem:s28+$0x20] =	vst v0  }
0x71: {  	v0 =	vld [tilespmem:s23+$0x430];
	_ =	sdelay $0x4  }
0x72: {  	[tilespmem:s28+$0x30] =	vst v0  }
0x73: {  	v0 =	vld [tilespmem:s23+$0x440];
	_ =	sdelay $0x4  }
0x74: {  	[tilespmem:s28+$0x40] =	vst v0  }
0x75: {  	v0 =	vld [tilespmem:s23+$0x450];
	_ =	sdelay $0x4  }
0x76: {  	[tilespmem:s28+$0x50] =	vst v0  }
0x77: {  	v0 =	vld [tilespmem:s23+$0x460];
	_ =	sdelay $0x4  }
0x78: {  	[tilespmem:s28+$0x60] =	vst v0  }
0x79: {  	v0 =	vld [tilespmem:s23+$0x470];
	_ =	sdelay $0x4  }
0x7a: {  	s29 =	simm.s32 $0x0;
	[tilespmem:s28+$0x70] =	vst v0  }
0x7b: {  	[tilespmem:s29], [sflag:$0x4] =	stream.strided.gather [hbm4b:s5+s9], $0x2000, s10, s9, $0x38;
	[tilespmem:$0x19C28] =	vst v63  }
0x7c: {  	_ =	swait.ge [sflag:s11], $0x2000  }
0x7d: {  	s30 =	sand.u32 $0x1800, s29;
	s22 =	sand.u32 $0x380, s29;
	[sflag:s11] =	ssyncset.done $0x0  }
0x7e: {  	s24 =	sor.u32 s22, s30;
	[sflag:s11] =	ssyncadd.s32 $0xFFFFE000  }
0x7f: {  	v0 =	vld [tilespmem:s24+$0x0];
	_ =	sdelay $0x3  }
0x80: {  	s22 =	simm.s32 $0x3A80  }
0x81: {  	[tilespmem:s22+$0xFFFFFF80] =	vst v0  }
0x82: {  	v0 =	vld [tilespmem:s24+$0x10];
	_ =	sdelay $0x4  }
0x83: {  	[tilespmem:s22+$0xFFFFFF90] =	vst v0  }
0x84: {  	v0 =	vld [tilespmem:s24+$0x20];
	_ =	sdelay $0x4  }
0x85: {  	[tilespmem:s22+$0xFFFFFFA0] =	vst v0  }
0x86: {  	v0 =	vld [tilespmem:s24+$0x30];
	_ =	sdelay $0x4  }
0x87: {  	[tilespmem:s22+$0xFFFFFFB0] =	vst v0  }
0x88: {  	v0 =	vld [tilespmem:s24+$0x40];
	_ =	sdelay $0x4  }
0x89: {  	[tilespmem:s22+$0xFFFFFFC0] =	vst v0  }
0x8a: {  	v0 =	vld [tilespmem:s24+$0x50];
	_ =	sdelay $0x4  }
0x8b: {  	[tilespmem:s22+$0xFFFFFFD0] =	vst v0  }
0x8c: {  	v0 =	vld [tilespmem:s24+$0x60];
	_ =	sdelay $0x4  }
0x8d: {  	[tilespmem:s22+$0xFFFFFFE0] =	vst v0  }
0x8e: {  	v0 =	vld [tilespmem:s24+$0x70];
	_ =	sdelay $0x4  }
0x8f: {  	[tilespmem:s22+$0xFFFFFFF0] =	vst v0  }
0x90: {  	v0 =	vld [tilespmem:s24+$0x400];
	_ =	sdelay $0x4  }
0x91: {  	[tilespmem:s22+$0x0] =	vst v0  }
0x92: {  	v0 =	vld [tilespmem:s24+$0x410];
	_ =	sdelay $0x4  }
0x93: {  	[tilespmem:s22+$0x10] =	vst v0  }
0x94: {  	v0 =	vld [tilespmem:s24+$0x420];
	_ =	sdelay $0x4  }
0x95: {  	[tilespmem:s22+$0x20] =	vst v0  }
0x96: {  	v0 =	vld [tilespmem:s24+$0x430];
	_ =	sdelay $0x4  }
0x97: {  	[tilespmem:s22+$0x30] =	vst v0  }
0x98: {  	v0 =	vld [tilespmem:s24+$0x440];
	_ =	sdelay $0x4  }
0x99: {  	[tilespmem:s22+$0x40] =	vst v0  }
0x9a: {  	v0 =	vld [tilespmem:s24+$0x450];
	_ =	sdelay $0x4  }
0x9b: {  	[tilespmem:s22+$0x50] =	vst v0  }
0x9c: {  	v0 =	vld [tilespmem:s24+$0x460];
	_ =	sdelay $0x4  }
0x9d: {  	[tilespmem:s22+$0x60] =	vst v0  }
0x9e: {  	v0 =	vld [tilespmem:s24+$0x470];
	_ =	sdelay $0x2  }
0x9f: {  	s31 =	simm.s32 $0x100;
	s23 =	simm.s32 $0x80  }
0xa0: {  	s25 =	sand.u32 $0x1800, s31;
	s26 =	sand.u32 $0x380, s23;
	s24 =	simm.s32 $0x200  }
.LBB2_4:
0xa1: {  	p0 =	sne.s32 s24, $0x1900;
	s25 =	sor.u32 s26, s25;
	[tilespmem:s22+$0x70] =	vst v0  }
0xa2: {  	v0 =	vld [tilespmem:s25+$0x0];
	_ =	sdelay $0x3  }
0xa3: {  	s22 =	sadd.s32 $0x100, s22  }
0xa4: {  	[tilespmem:s22+$0xFFFFFF80] =	vst v0  }
0xa5: {  	v0 =	vld [tilespmem:s25+$0x10];
	_ =	sdelay $0x4  }
0xa6: {  	[tilespmem:s22+$0xFFFFFF90] =	vst v0  }
0xa7: {  	v0 =	vld [tilespmem:s25+$0x20];
	_ =	sdelay $0x4  }
0xa8: {  	[tilespmem:s22+$0xFFFFFFA0] =	vst v0  }
0xa9: {  	v0 =	vld [tilespmem:s25+$0x30];
	_ =	sdelay $0x4  }
0xaa: {  	[tilespmem:s22+$0xFFFFFFB0] =	vst v0  }
0xab: {  	v0 =	vld [tilespmem:s25+$0x40];
	_ =	sdelay $0x4  }
0xac: {  	[tilespmem:s22+$0xFFFFFFC0] =	vst v0  }
0xad: {  	v0 =	vld [tilespmem:s25+$0x50];
	_ =	sdelay $0x4  }
0xae: {  	[tilespmem:s22+$0xFFFFFFD0] =	vst v0  }
0xaf: {  	v0 =	vld [tilespmem:s25+$0x60];
	_ =	sdelay $0x4  }
0xb0: {  	[tilespmem:s22+$0xFFFFFFE0] =	vst v0  }
0xb1: {  	v0 =	vld [tilespmem:s25+$0x70];
	_ =	sdelay $0x4  }
0xb2: {  	[tilespmem:s22+$0xFFFFFFF0] =	vst v0  }
0xb3: {  	v0 =	vld [tilespmem:s25+$0x400];
	_ =	sdelay $0x4  }
0xb4: {  	[tilespmem:s22+$0x0] =	vst v0  }
0xb5: {  	v0 =	vld [tilespmem:s25+$0x410];
	_ =	sdelay $0x4  }
0xb6: {  	[tilespmem:s22+$0x10] =	vst v0  }
0xb7: {  	v0 =	vld [tilespmem:s25+$0x420];
	_ =	sdelay $0x4  }
0xb8: {  	[tilespmem:s22+$0x20] =	vst v0  }
0xb9: {  	v0 =	vld [tilespmem:s25+$0x430];
	_ =	sdelay $0x4  }
0xba: {  	[tilespmem:s22+$0x30] =	vst v0  }
0xbb: {  	v0 =	vld [tilespmem:s25+$0x440];
	_ =	sdelay $0x4  }
0xbc: {  	[tilespmem:s22+$0x40] =	vst v0  }
0xbd: {  	v0 =	vld [tilespmem:s25+$0x450];
	_ =	sdelay $0x4  }
0xbe: {  	[tilespmem:s22+$0x50] =	vst v0  }
0xbf: {  	v0 =	vld [tilespmem:s25+$0x460];
	_ =	sdelay $0x4  }
0xc0: {  	[tilespmem:s22+$0x60] =	vst v0  }
.Ltmp1:
0xc1: {  	v0 =	vld [tilespmem:s25+$0x470];
	(pc) =	sbr.rel @p0 .LBB2_4-.Ltmp1, $3  }
0xc2: {  	_ =	sdelay $0x1  }
0xc3: {  	s23 =	sadd.s32 $0x80, s23  }
0xc4: {  	s26 =	sand.u32 $0x380, s23;
	s25 =	sand.u32 $0x1800, s24;
	s24 =	sadd.s32 $0x100, s24  }
0xc5: {  	s23 =	sor.u32 s26, s25;
	[tilespmem:s22+$0x70] =	vst v0  }
0xc6: {  	v0 =	vld [tilespmem:s23+$0x0];
	_ =	sdelay $0x3  }
0xc7: {  	s29 =	sadd.s32 $0x100, s22  }
0xc8: {  	[tilespmem:s29+$0xFFFFFF80] =	vst v0  }
0xc9: {  	v0 =	vld [tilespmem:s23+$0x10];
	_ =	sdelay $0x4  }
0xca: {  	[tilespmem:s29+$0xFFFFFF90] =	vst v0  }
0xcb: {  	v0 =	vld [tilespmem:s23+$0x20];
	_ =	sdelay $0x4  }
0xcc: {  	[tilespmem:s29+$0xFFFFFFA0] =	vst v0  }
0xcd: {  	v0 =	vld [tilespmem:s23+$0x30];
	_ =	sdelay $0x4  }
0xce: {  	[tilespmem:s29+$0xFFFFFFB0] =	vst v0  }
0xcf: {  	v0 =	vld [tilespmem:s23+$0x40];
	_ =	sdelay $0x4  }
0xd0: {  	[tilespmem:s29+$0xFFFFFFC0] =	vst v0  }
0xd1: {  	v0 =	vld [tilespmem:s23+$0x50];
	_ =	sdelay $0x4  }
0xd2: {  	[tilespmem:s29+$0xFFFFFFD0] =	vst v0  }
0xd3: {  	v0 =	vld [tilespmem:s23+$0x60];
	_ =	sdelay $0x4  }
0xd4: {  	[tilespmem:s29+$0xFFFFFFE0] =	vst v0  }
0xd5: {  	v0 =	vld [tilespmem:s23+$0x70];
	_ =	sdelay $0x4  }
0xd6: {  	[tilespmem:s29+$0xFFFFFFF0] =	vst v0  }
0xd7: {  	v0 =	vld [tilespmem:s23+$0x400];
	_ =	sdelay $0x4  }
0xd8: {  	[tilespmem:s29+$0x0] =	vst v0  }
0xd9: {  	v0 =	vld [tilespmem:s23+$0x410];
	_ =	sdelay $0x4  }
0xda: {  	[tilespmem:s29+$0x10] =	vst v0  }
0xdb: {  	v0 =	vld [tilespmem:s23+$0x420];
	_ =	sdelay $0x4  }
0xdc: {  	[tilespmem:s29+$0x20] =	vst v0  }
0xdd: {  	v0 =	vld [tilespmem:s23+$0x430];
	_ =	sdelay $0x4  }
0xde: {  	[tilespmem:s29+$0x30] =	vst v0  }
0xdf: {  	v0 =	vld [tilespmem:s23+$0x440];
	_ =	sdelay $0x4  }
0xe0: {  	[tilespmem:s29+$0x40] =	vst v0  }
0xe1: {  	v0 =	vld [tilespmem:s23+$0x450];
	_ =	sdelay $0x4  }
0xe2: {  	[tilespmem:s29+$0x50] =	vst v0  }
0xe3: {  	v0 =	vld [tilespmem:s23+$0x460];
	_ =	sdelay $0x4  }
0xe4: {  	[tilespmem:s29+$0x60] =	vst v0  }
0xe5: {  	v0 =	vld [tilespmem:s23+$0x470];
	_ =	sdelay $0x4  }
0xe6: {  	[tilespmem:s29+$0x70] =	vst v0  }
0xe7: {  	_ =	swait.ge [sflag:s12], $0x1  }
0xe8: {  	[sflag:s12] =	ssyncset.done $0x0  }
0xe9: {  	[sflag:s12] =	ssyncadd.s32 $0xFFFFFFFF  }
0xea: {  	[tilespmem:s15], [sflag:$0x1] =	stream.indirect.gather [spmem:s2], $0x1, s14, s13, $0xb8;
	[tilespmem:$0x19C28] =	vst v63  }
0xeb: {  	_ = 	snop  }
0xec: {  	[tilespmem:s17], [sflag:$0x2] =	stream.indirect.gather [spmem:s2], $0x1, s16, s13, $0xb8;
	[tilespmem:$0x19C28] =	vst v63  }
0xed: {  	_ =	swait.ge [sflag:s18], $0x1A00  }
0xee: {  	[sflag:s18] =	ssyncset.done $0x0  }
0xef: {  	s30 =	simm.s32 $0x5480;
	[sflag:s18] =	ssyncadd.s32 $0xFFFFE600  }
0xf0: {  	v0 =	vld [tilespmem:s30+$0xFFFFFF80];
	_ =	sdelay $0x1  }
0xf1: {  	s22 =	simm.s32 $0x0  }
0xf2: {  	s24 =	sand.u32 $0x1800, s22;
	s31 =	sand.u32 $0x380, s22  }
0xf3: {  	s24 =	sor.u32 s31, s24  }
0xf4: {  	[tilespmem:s24+$0x8800] =	vst v0  }
0xf5: {  	v0 =	vld [tilespmem:s30+$0xFFFFFF90];
	_ =	sdelay $0x4  }
0xf6: {  	[tilespmem:s24+$0x8810] =	vst v0  }
0xf7: {  	v0 =	vld [tilespmem:s30+$0xFFFFFFA0];
	_ =	sdelay $0x4  }
0xf8: {  	[tilespmem:s24+$0x8820] =	vst v0  }
0xf9: {  	v0 =	vld [tilespmem:s30+$0xFFFFFFB0];
	_ =	sdelay $0x4  }
0xfa: {  	[tilespmem:s24+$0x8830] =	vst v0  }
0xfb: {  	v0 =	vld [tilespmem:s30+$0xFFFFFFC0];
	_ =	sdelay $0x4  }
0xfc: {  	[tilespmem:s24+$0x8840] =	vst v0  }
0xfd: {  	v0 =	vld [tilespmem:s30+$0xFFFFFFD0];
	_ =	sdelay $0x4  }
0xfe: {  	[tilespmem:s24+$0x8850] =	vst v0  }
0xff: {  	v0 =	vld [tilespmem:s30+$0xFFFFFFE0];
	_ =	sdelay $0x4  }
0x100: {  	[tilespmem:s24+$0x8860] =	vst v0  }
0x101: {  	v0 =	vld [tilespmem:s30+$0xFFFFFFF0];
	_ =	sdelay $0x4  }
0x102: {  	[tilespmem:s24+$0x8870] =	vst v0  }
0x103: {  	v0 =	vld [tilespmem:s30+$0x0];
	_ =	sdelay $0x4  }
0x104: {  	[tilespmem:s24+$0x8C00] =	vst v0  }
0x105: {  	v0 =	vld [tilespmem:s30+$0x10];
	_ =	sdelay $0x4  }
0x106: {  	[tilespmem:s24+$0x8C10] =	vst v0  }
0x107: {  	v0 =	vld [tilespmem:s30+$0x20];
	_ =	sdelay $0x4  }
0x108: {  	[tilespmem:s24+$0x8C20] =	vst v0  }
0x109: {  	v0 =	vld [tilespmem:s30+$0x30];
	_ =	sdelay $0x4  }
0x10a: {  	[tilespmem:s24+$0x8C30] =	vst v0  }
0x10b: {  	v0 =	vld [tilespmem:s30+$0x40];
	_ =	sdelay $0x4  }
0x10c: {  	[tilespmem:s24+$0x8C40] =	vst v0  }
0x10d: {  	v0 =	vld [tilespmem:s30+$0x50];
	_ =	sdelay $0x4  }
0x10e: {  	[tilespmem:s24+$0x8C50] =	vst v0  }
0x10f: {  	v0 =	vld [tilespmem:s30+$0x60];
	_ =	sdelay $0x4  }
0x110: {  	[tilespmem:s24+$0x8C60] =	vst v0  }
0x111: {  	v0 =	vld [tilespmem:s30+$0x70];
	_ =	sdelay $0x4  }
0x112: {  	s23 =	simm.s32 $0x5580;
	[tilespmem:s24+$0x8C70] =	vst v0  }
0x113: {  	s25 =	simm.s32 $0x200;
	s24 =	simm.s32 $0x100;
	v0 =	vld [tilespmem:s23+$0xFFFFFF80]  }
.LBB2_6:
0x114: {  	p0 =	sne.s32 s25, $0x1900  }
0x115: {  	s22 =	sadd.s32 $0x80, s22  }
0x116: {  	s26 =	sand.u32 $0x1800, s24;
	s24 =	smov.u32 s25;
	s28 =	sand.u32 $0x380, s22  }
0x117: {  	s26 =	sor.u32 s28, s26  }
0x118: {  	[tilespmem:s26+$0x8800] =	vst v0  }
0x119: {  	v0 =	vld [tilespmem:s23+$0xFFFFFF90];
	_ =	sdelay $0x4  }
0x11a: {  	[tilespmem:s26+$0x8810] =	vst v0  }
0x11b: {  	v0 =	vld [tilespmem:s23+$0xFFFFFFA0];
	_ =	sdelay $0x4  }
0x11c: {  	[tilespmem:s26+$0x8820] =	vst v0  }
0x11d: {  	v0 =	vld [tilespmem:s23+$0xFFFFFFB0];
	_ =	sdelay $0x4  }
0x11e: {  	[tilespmem:s26+$0x8830] =	vst v0  }
0x11f: {  	v0 =	vld [tilespmem:s23+$0xFFFFFFC0];
	_ =	sdelay $0x4  }
0x120: {  	[tilespmem:s26+$0x8840] =	vst v0  }
0x121: {  	v0 =	vld [tilespmem:s23+$0xFFFFFFD0];
	_ =	sdelay $0x4  }
0x122: {  	[tilespmem:s26+$0x8850] =	vst v0  }
0x123: {  	v0 =	vld [tilespmem:s23+$0xFFFFFFE0];
	_ =	sdelay $0x4  }
0x124: {  	[tilespmem:s26+$0x8860] =	vst v0  }
0x125: {  	v0 =	vld [tilespmem:s23+$0xFFFFFFF0];
	_ =	sdelay $0x4  }
0x126: {  	[tilespmem:s26+$0x8870] =	vst v0  }
0x127: {  	v0 =	vld [tilespmem:s23+$0x0];
	_ =	sdelay $0x4  }
0x128: {  	[tilespmem:s26+$0x8C00] =	vst v0  }
0x129: {  	v0 =	vld [tilespmem:s23+$0x10];
	_ =	sdelay $0x4  }
0x12a: {  	[tilespmem:s26+$0x8C10] =	vst v0  }
0x12b: {  	v0 =	vld [tilespmem:s23+$0x20];
	_ =	sdelay $0x4  }
0x12c: {  	[tilespmem:s26+$0x8C20] =	vst v0  }
0x12d: {  	v0 =	vld [tilespmem:s23+$0x30];
	_ =	sdelay $0x4  }
0x12e: {  	[tilespmem:s26+$0x8C30] =	vst v0  }
0x12f: {  	v0 =	vld [tilespmem:s23+$0x40];
	_ =	sdelay $0x4  }
0x130: {  	[tilespmem:s26+$0x8C40] =	vst v0  }
0x131: {  	v0 =	vld [tilespmem:s23+$0x50];
	_ =	sdelay $0x4  }
0x132: {  	[tilespmem:s26+$0x8C50] =	vst v0  }
0x133: {  	v0 =	vld [tilespmem:s23+$0x60];
	_ =	sdelay $0x4  }
0x134: {  	[tilespmem:s26+$0x8C60] =	vst v0  }
0x135: {  	v0 =	vld [tilespmem:s23+$0x70];
	_ =	sdelay $0x1  }
.Ltmp2:
0x136: {  	(pc) =	sbr.rel @p0 .LBB2_6-.Ltmp2, $3  }
0x137: {  	_ =	sdelay $0x1  }
0x138: {  	s23 =	sadd.s32 $0x100, s23;
	[tilespmem:s26+$0x8C70] =	vst v0  }
0x139: {  	s25 =	sadd.s32 $0x100, s25;
	v0 =	vld [tilespmem:s23+$0xFFFFFF80]  }
0x13a: {  	_ = 	snop  }
0x13b: {  	s22 =	sadd.s32 $0x80, s22  }
0x13c: {  	s24 =	sand.u32 $0x1800, s24;
	s22 =	sand.u32 $0x380, s22  }
0x13d: {  	s22 =	sor.u32 s22, s24  }
0x13e: {  	[tilespmem:s22+$0x8800] =	vst v0  }
0x13f: {  	v0 =	vld [tilespmem:s23+$0xFFFFFF90];
	_ =	sdelay $0x4  }
0x140: {  	[tilespmem:s22+$0x8810] =	vst v0  }
0x141: {  	v0 =	vld [tilespmem:s23+$0xFFFFFFA0];
	_ =	sdelay $0x4  }
0x142: {  	[tilespmem:s22+$0x8820] =	vst v0  }
0x143: {  	v0 =	vld [tilespmem:s23+$0xFFFFFFB0];
	_ =	sdelay $0x4  }
0x144: {  	[tilespmem:s22+$0x8830] =	vst v0  }
0x145: {  	v0 =	vld [tilespmem:s23+$0xFFFFFFC0];
	_ =	sdelay $0x4  }
0x146: {  	[tilespmem:s22+$0x8840] =	vst v0  }
0x147: {  	v0 =	vld [tilespmem:s23+$0xFFFFFFD0];
	_ =	sdelay $0x4  }
0x148: {  	[tilespmem:s22+$0x8850] =	vst v0  }
0x149: {  	v0 =	vld [tilespmem:s23+$0xFFFFFFE0];
	_ =	sdelay $0x4  }
0x14a: {  	[tilespmem:s22+$0x8860] =	vst v0  }
0x14b: {  	v0 =	vld [tilespmem:s23+$0xFFFFFFF0];
	_ =	sdelay $0x4  }
0x14c: {  	[tilespmem:s22+$0x8870] =	vst v0  }
0x14d: {  	v0 =	vld [tilespmem:s23+$0x0];
	_ =	sdelay $0x4  }
0x14e: {  	[tilespmem:s22+$0x8C00] =	vst v0  }
0x14f: {  	v0 =	vld [tilespmem:s23+$0x10];
	_ =	sdelay $0x4  }
0x150: {  	[tilespmem:s22+$0x8C10] =	vst v0  }
0x151: {  	v0 =	vld [tilespmem:s23+$0x20];
	_ =	sdelay $0x4  }
0x152: {  	[tilespmem:s22+$0x8C20] =	vst v0  }
0x153: {  	v0 =	vld [tilespmem:s23+$0x30];
	_ =	sdelay $0x4  }
0x154: {  	[tilespmem:s22+$0x8C30] =	vst v0  }
0x155: {  	v0 =	vld [tilespmem:s23+$0x40];
	_ =	sdelay $0x4  }
0x156: {  	[tilespmem:s22+$0x8C40] =	vst v0  }
0x157: {  	v0 =	vld [tilespmem:s23+$0x50];
	_ =	sdelay $0x4  }
0x158: {  	[tilespmem:s22+$0x8C50] =	vst v0  }
0x159: {  	v0 =	vld [tilespmem:s23+$0x60];
	_ =	sdelay $0x4  }
0x15a: {  	[tilespmem:s22+$0x8C60] =	vst v0  }
0x15b: {  	v0 =	vld [tilespmem:s23+$0x70];
	_ =	sdelay $0x4  }
0x15c: {  	[tilespmem:s22+$0x8C70] =	vst v0  }
0x15d: {  	[hbm4b:s6+s9] =	stream.strided.scatter [tilespmem:s19], [sflag:$0x4], $0x2000, s10, s9, $0x38;
	[tilespmem:$0x19C28] =	vst v63  }
0x15e: {  	_ =	swait.ge [sflag:s11], $0x2000  }
0x15f: {  	[sflag:s11] =	ssyncset.done $0x0  }
0x160: {  	[sflag:s11] =	ssyncadd.s32 $0xFFFFE000  }
0x161: {  	_ =	swait.ge [sflag:s20], $0x1A00  }
0x162: {  	[sflag:s20] =	ssyncset.done $0x0  }
0x163: {  	s30 =	simm.s32 $0x6E80;
	[sflag:s20] =	ssyncadd.s32 $0xFFFFE600  }
0x164: {  	v0 =	vld [tilespmem:s30+$0xFFFFFF80];
	_ =	sdelay $0x1  }
0x165: {  	s22 =	simm.s32 $0x0  }
0x166: {  	s31 =	sand.u32 $0x1800, s22;
	s25 =	sand.u32 $0x380, s22  }
0x167: {  	s24 =	sor.u32 s25, s31  }
0x168: {  	[tilespmem:s24+$0x8800] =	vst v0  }
0x169: {  	v0 =	vld [tilespmem:s30+$0xFFFFFF90];
	_ =	sdelay $0x4  }
0x16a: {  	[tilespmem:s24+$0x8810] =	vst v0  }
0x16b: {  	v0 =	vld [tilespmem:s30+$0xFFFFFFA0];
	_ =	sdelay $0x4  }
0x16c: {  	[tilespmem:s24+$0x8820] =	vst v0  }
0x16d: {  	v0 =	vld [tilespmem:s30+$0xFFFFFFB0];
	_ =	sdelay $0x4  }
0x16e: {  	[tilespmem:s24+$0x8830] =	vst v0  }
0x16f: {  	v0 =	vld [tilespmem:s30+$0xFFFFFFC0];
	_ =	sdelay $0x4  }
0x170: {  	[tilespmem:s24+$0x8840] =	vst v0  }
0x171: {  	v0 =	vld [tilespmem:s30+$0xFFFFFFD0];
	_ =	sdelay $0x4  }
0x172: {  	[tilespmem:s24+$0x8850] =	vst v0  }
0x173: {  	v0 =	vld [tilespmem:s30+$0xFFFFFFE0];
	_ =	sdelay $0x4  }
0x174: {  	[tilespmem:s24+$0x8860] =	vst v0  }
0x175: {  	v0 =	vld [tilespmem:s30+$0xFFFFFFF0];
	_ =	sdelay $0x4  }
0x176: {  	[tilespmem:s24+$0x8870] =	vst v0  }
0x177: {  	v0 =	vld [tilespmem:s30+$0x0];
	_ =	sdelay $0x4  }
0x178: {  	[tilespmem:s24+$0x8C00] =	vst v0  }
0x179: {  	v0 =	vld [tilespmem:s30+$0x10];
	_ =	sdelay $0x4  }
0x17a: {  	[tilespmem:s24+$0x8C10] =	vst v0  }
0x17b: {  	v0 =	vld [tilespmem:s30+$0x20];
	_ =	sdelay $0x4  }
0x17c: {  	[tilespmem:s24+$0x8C20] =	vst v0  }
0x17d: {  	v0 =	vld [tilespmem:s30+$0x30];
	_ =	sdelay $0x4  }
0x17e: {  	[tilespmem:s24+$0x8C30] =	vst v0  }
0x17f: {  	v0 =	vld [tilespmem:s30+$0x40];
	_ =	sdelay $0x4  }
0x180: {  	[tilespmem:s24+$0x8C40] =	vst v0  }
0x181: {  	v0 =	vld [tilespmem:s30+$0x50];
	_ =	sdelay $0x4  }
0x182: {  	[tilespmem:s24+$0x8C50] =	vst v0  }
0x183: {  	v0 =	vld [tilespmem:s30+$0x60];
	_ =	sdelay $0x4  }
0x184: {  	[tilespmem:s24+$0x8C60] =	vst v0  }
0x185: {  	v0 =	vld [tilespmem:s30+$0x70];
	_ =	sdelay $0x4  }
0x186: {  	s23 =	simm.s32 $0x6F80;
	[tilespmem:s24+$0x8C70] =	vst v0  }
0x187: {  	s25 =	simm.s32 $0x200;
	s24 =	simm.s32 $0x100;
	v0 =	vld [tilespmem:s23+$0xFFFFFF80]  }
.LBB2_8:
0x188: {  	p0 =	sne.s32 s25, $0x1900  }
0x189: {  	s22 =	sadd.s32 $0x80, s22  }
0x18a: {  	s26 =	sand.u32 $0x1800, s24;
	s24 =	smov.u32 s25;
	s28 =	sand.u32 $0x380, s22  }
0x18b: {  	s26 =	sor.u32 s28, s26  }
0x18c: {  	[tilespmem:s26+$0x8800] =	vst v0  }
0x18d: {  	v0 =	vld [tilespmem:s23+$0xFFFFFF90];
	_ =	sdelay $0x4  }
0x18e: {  	[tilespmem:s26+$0x8810] =	vst v0  }
0x18f: {  	v0 =	vld [tilespmem:s23+$0xFFFFFFA0];
	_ =	sdelay $0x4  }
0x190: {  	[tilespmem:s26+$0x8820] =	vst v0  }
0x191: {  	v0 =	vld [tilespmem:s23+$0xFFFFFFB0];
	_ =	sdelay $0x4  }
0x192: {  	[tilespmem:s26+$0x8830] =	vst v0  }
0x193: {  	v0 =	vld [tilespmem:s23+$0xFFFFFFC0];
	_ =	sdelay $0x4  }
0x194: {  	[tilespmem:s26+$0x8840] =	vst v0  }
0x195: {  	v0 =	vld [tilespmem:s23+$0xFFFFFFD0];
	_ =	sdelay $0x4  }
0x196: {  	[tilespmem:s26+$0x8850] =	vst v0  }
0x197: {  	v0 =	vld [tilespmem:s23+$0xFFFFFFE0];
	_ =	sdelay $0x4  }
0x198: {  	[tilespmem:s26+$0x8860] =	vst v0  }
0x199: {  	v0 =	vld [tilespmem:s23+$0xFFFFFFF0];
	_ =	sdelay $0x4  }
0x19a: {  	[tilespmem:s26+$0x8870] =	vst v0  }
0x19b: {  	v0 =	vld [tilespmem:s23+$0x0];
	_ =	sdelay $0x4  }
0x19c: {  	[tilespmem:s26+$0x8C00] =	vst v0  }
0x19d: {  	v0 =	vld [tilespmem:s23+$0x10];
	_ =	sdelay $0x4  }
0x19e: {  	[tilespmem:s26+$0x8C10] =	vst v0  }
0x19f: {  	v0 =	vld [tilespmem:s23+$0x20];
	_ =	sdelay $0x4  }
0x1a0: {  	[tilespmem:s26+$0x8C20] =	vst v0  }
0x1a1: {  	v0 =	vld [tilespmem:s23+$0x30];
	_ =	sdelay $0x4  }
0x1a2: {  	[tilespmem:s26+$0x8C30] =	vst v0  }
0x1a3: {  	v0 =	vld [tilespmem:s23+$0x40];
	_ =	sdelay $0x4  }
0x1a4: {  	[tilespmem:s26+$0x8C40] =	vst v0  }
0x1a5: {  	v0 =	vld [tilespmem:s23+$0x50];
	_ =	sdelay $0x4  }
0x1a6: {  	[tilespmem:s26+$0x8C50] =	vst v0  }
0x1a7: {  	v0 =	vld [tilespmem:s23+$0x60];
	_ =	sdelay $0x4  }
0x1a8: {  	[tilespmem:s26+$0x8C60] =	vst v0  }
0x1a9: {  	v0 =	vld [tilespmem:s23+$0x70];
	_ =	sdelay $0x1  }
.Ltmp3:
0x1aa: {  	(pc) =	sbr.rel @p0 .LBB2_8-.Ltmp3, $3  }
0x1ab: {  	_ =	sdelay $0x1  }
0x1ac: {  	s23 =	sadd.s32 $0x100, s23;
	[tilespmem:s26+$0x8C70] =	vst v0  }
0x1ad: {  	s25 =	sadd.s32 $0x100, s25;
	v0 =	vld [tilespmem:s23+$0xFFFFFF80]  }
0x1ae: {  	_ = 	snop  }
0x1af: {  	s22 =	sadd.s32 $0x80, s22  }
0x1b0: {  	s24 =	sand.u32 $0x1800, s24;
	s22 =	sand.u32 $0x380, s22  }
0x1b1: {  	s22 =	sor.u32 s22, s24  }
0x1b2: {  	[tilespmem:s22+$0x8800] =	vst v0  }
0x1b3: {  	v0 =	vld [tilespmem:s23+$0xFFFFFF90];
	_ =	sdelay $0x4  }
0x1b4: {  	[tilespmem:s22+$0x8810] =	vst v0  }
0x1b5: {  	v0 =	vld [tilespmem:s23+$0xFFFFFFA0];
	_ =	sdelay $0x4  }
0x1b6: {  	[tilespmem:s22+$0x8820] =	vst v0  }
0x1b7: {  	v0 =	vld [tilespmem:s23+$0xFFFFFFB0];
	_ =	sdelay $0x4  }
0x1b8: {  	[tilespmem:s22+$0x8830] =	vst v0  }
0x1b9: {  	v0 =	vld [tilespmem:s23+$0xFFFFFFC0];
	_ =	sdelay $0x4  }
0x1ba: {  	[tilespmem:s22+$0x8840] =	vst v0  }
0x1bb: {  	v0 =	vld [tilespmem:s23+$0xFFFFFFD0];
	_ =	sdelay $0x4  }
0x1bc: {  	[tilespmem:s22+$0x8850] =	vst v0  }
0x1bd: {  	v0 =	vld [tilespmem:s23+$0xFFFFFFE0];
	_ =	sdelay $0x4  }
0x1be: {  	[tilespmem:s22+$0x8860] =	vst v0  }
0x1bf: {  	v0 =	vld [tilespmem:s23+$0xFFFFFFF0];
	_ =	sdelay $0x4  }
0x1c0: {  	[tilespmem:s22+$0x8870] =	vst v0  }
0x1c1: {  	v0 =	vld [tilespmem:s23+$0x0];
	_ =	sdelay $0x4  }
0x1c2: {  	[tilespmem:s22+$0x8C00] =	vst v0  }
0x1c3: {  	v0 =	vld [tilespmem:s23+$0x10];
	_ =	sdelay $0x4  }
0x1c4: {  	[tilespmem:s22+$0x8C10] =	vst v0  }
0x1c5: {  	v0 =	vld [tilespmem:s23+$0x20];
	_ =	sdelay $0x4  }
0x1c6: {  	[tilespmem:s22+$0x8C20] =	vst v0  }
0x1c7: {  	v0 =	vld [tilespmem:s23+$0x30];
	_ =	sdelay $0x4  }
0x1c8: {  	[tilespmem:s22+$0x8C30] =	vst v0  }
0x1c9: {  	v0 =	vld [tilespmem:s23+$0x40];
	_ =	sdelay $0x4  }
0x1ca: {  	[tilespmem:s22+$0x8C40] =	vst v0  }
0x1cb: {  	v0 =	vld [tilespmem:s23+$0x50];
	_ =	sdelay $0x4  }
0x1cc: {  	[tilespmem:s22+$0x8C50] =	vst v0  }
0x1cd: {  	v0 =	vld [tilespmem:s23+$0x60];
	_ =	sdelay $0x4  }
0x1ce: {  	[tilespmem:s22+$0x8C60] =	vst v0  }
0x1cf: {  	v0 =	vld [tilespmem:s23+$0x70];
	_ =	sdelay $0x2  }
0x1d0: {  	s21 =	sadd.s32 $0x1, s21  }
0x1d1: {  	p0 =	sne.s32 s21, s8  }
.Ltmp4:
0x1d2: {  	[tilespmem:s22+$0x8C70] =	vst v0;
	(pc) =	sbr.rel @p0 .LBB2_1-.Ltmp4, $4  }
0x1d3: {  	[hbm4b:s7+s9] =	stream.strided.scatter [tilespmem:s19], [sflag:$0x4], $0x2000, s10, s9, $0x38;
	[tilespmem:$0x19C28] =	vst v63  }
0x1d4: {  	_ =	swait.ge [sflag:s11], $0x2000  }
0x1d5: {  	[sflag:s11] =	ssyncset.done $0x0  }
0x1d6: {  	[sflag:s11] =	ssyncadd.s32 $0xFFFFE000  }
0x1d7: {  	_ =	sfence.sel $0x180000  }
0x1d8: {  	[bflag:$0x0] =	sbarrier.arrive $0xFFFF  }
0x1d9: {  	p0 =	sne.s32 s1, $0x0;
	_ =	strace $0x90000047  }
0x1da: {  	s0 =	sadd.s32 @!p0 $0x100000, s0;
	[bflag:$0x2] =	sbarrier.arrive $0xFFFF  }
0x1db: {  	[sflag:s0] =	ssyncadd.tile.s32 @!p0 $0x1;
	_ =	shalt  }
.Lfunc_end2:
_tile_overlayer_lowered:
.L_overlay_start_2:
0x1dc: {  	(tag) =	ssettag $0x2  }
0x1dd: {  	s0 =	rddreg [dreg:$0x0];
	s2 =	stileid.u32  }
0x1de: {  	s1 =	rddreg [dreg:$0x1];
	p0 =	sne.s32 s2, $0x0  }
0x1df: {  	s3 =	rddreg [dreg:$0x2];
	[bflag:$0x3] =	sbarrier.arrive $0xFFFF;
	s2 =	simm.s32 @!p0 $0x1C04  }
0x1e0: {  	[timem:s3], [sflag:s2] =	dma.local @!p0 [hbm:s0], s1  }
0x1e1: {  	s0 =	simm.s32 @!p0 $0x4  }
0x1e2: {  	_ =	swait.ge @!p0 [sflag:s0], s1  }
0x1e3: {  	s1 =	ssub.s32 @!p0 $0x0, s1;
	[sflag:s0] =	ssyncset.done @!p0 $0x0  }
0x1e4: {  	[sflag:s0] =	ssyncadd.s32 @!p0 s1  }
0x1e5: {  	[bflag:$0x3] =	sbarrier.arrive $0xFFFF  }
0x1e6: {  	_ =	shalt  }

</sc_bundles>
